<compile_context>
chip_gen: v7x
topology: tpu7x:2x2x1
jax: 0.10.2.dev20260603
libtpu: 0.0.44.dev20260713+nightly
codegen_flags: <defaults>
</compile_context>

<pallas_src>
import functools

import jax
import jax.numpy as jnp
from jax import lax
from jax.experimental import pallas as pl
from jax.experimental.pallas import tpu as pltpu
from jax.experimental.pallas import tpu_sc as plsc

N = 10000
E = 160000
C_IN = 256
C_HID = 256
C_OUT = 40
C2 = 128

BN = 1000
NB = N // BN
CH = C_HID // 2
NPAD = 10240

NSC = 2
NTS = 16
K = 64
EPAD = 163840
ECH = EPAD // K
EPT1 = EPAD // NTS
NC1 = EPT1 // K
EPT2 = EPAD // (NSC * NTS)
NC2 = EPT2 // K
CA = 80
CB = (ECH - CA * NTS) // NTS
CMX = max(CA, CB)
APT = NPAD // NTS
NWB = APT // K

_SC_MESH = plsc.VectorSubcoreMesh(core_axis_name="c", subcore_axis_name="s")
_SC_MESH1 = plsc.VectorSubcoreMesh(
    core_axis_name="c", subcore_axis_name="s", num_cores=1)



def _dis_from_degp(degp_blk):
    return lax.rsqrt(degp_blk[:, 0] + degp_blk[:, 1] + 1.0)


def _tc_a_body(degp, x, w1, yws):
    dis = _dis_from_degp(degp[...])
    xw = jnp.dot(x[...], w1[...], preferred_element_type=jnp.float32)
    yws[...] = (xw * dis[:, None])[None]


def _tc_a(degp, x, W1):
    return pl.pallas_call(
        _tc_a_body,
        grid=(2, NB),
        in_specs=[
            pl.BlockSpec((BN, 2), lambda c, i: (i, 0)),
            pl.BlockSpec((BN, C_IN), lambda c, i: (i, 0)),
            pl.BlockSpec((C_IN, CH), lambda c, i: (0, c)),
        ],
        out_specs=pl.BlockSpec((1, BN, CH), lambda c, i: (c, i, 0)),
        out_shape=jax.ShapeDtypeStruct((NSC, N, CH), jnp.float32),
    )(degp, x, W1)


def _tc_b_body(degp, a0, a1, y0, y1, w2, b1, yw2):
    dis = _dis_from_degp(degp[...])[:, None]
    h0 = dis * (a0[0] + y0[0])
    h1 = dis * (a1[0] + y1[0])
    h = jnp.concatenate([h0, h1], axis=1) + b1[...]
    h = jnp.maximum(h, 0.0)
    hw = jnp.dot(h, w2[...], preferred_element_type=jnp.float32)
    yw2[...] = hw * dis


def _tc_b(degp, agg1, yws, W2p, b1):
    return pl.pallas_call(
        _tc_b_body,
        grid=(NB,),
        in_specs=[
            pl.BlockSpec((BN, 2), lambda i: (i, 0)),
            pl.BlockSpec((1, BN, CH), lambda i: (0, i, 0)),
            pl.BlockSpec((1, BN, CH), lambda i: (1, i, 0)),
            pl.BlockSpec((1, BN, CH), lambda i: (0, i, 0)),
            pl.BlockSpec((1, BN, CH), lambda i: (1, i, 0)),
            pl.BlockSpec((C_HID, C2), lambda i: (0, 0)),
            pl.BlockSpec((1, C_HID), lambda i: (0, 0)),
        ],
        out_specs=pl.BlockSpec((BN, C2), lambda i: (i, 0)),
        out_shape=jax.ShapeDtypeStruct((N, C2), jnp.float32),
    )(degp, agg1, agg1, yws, yws, W2p, b1)


def _tc_c_body(degp, p0, p1, yw2, b2, out):
    dis = _dis_from_degp(degp[...])[:, None]
    full = dis * (p0[0] + p1[0] + yw2[...])
    out[...] = full[:, :C_OUT] + b2[...]


def _tc_c(degp, agg2p, yw2, b2):
    return pl.pallas_call(
        _tc_c_body,
        grid=(NB,),
        in_specs=[
            pl.BlockSpec((BN, 2), lambda i: (i, 0)),
            pl.BlockSpec((1, BN, C2), lambda i: (0, i, 0)),
            pl.BlockSpec((1, BN, C2), lambda i: (1, i, 0)),
            pl.BlockSpec((BN, C2), lambda i: (i, 0)),
            pl.BlockSpec((1, C_OUT), lambda i: (0, 0)),
        ],
        out_specs=pl.BlockSpec((BN, C_OUT), lambda i: (i, 0)),
        out_shape=jax.ShapeDtypeStruct((N, C_OUT), jnp.float32),
    )(degp, agg2p, agg2p, yw2, b2)



def _zero_vec(ref, nelem):
    def body(i, _):
        ref[pl.ds(i * 16, 16)] = jnp.zeros((16,), jnp.float32)
        return 0
    lax.fori_loop(0, nelem // 16, body, 0)


def _zero_2d(ref, rows, cols):
    def body(i, _):
        def col(k, _2):
            ref[i, pl.ds(k * 16, 16)] = jnp.zeros((16,), jnp.float32)
            return 0
        lax.fori_loop(0, cols // 16, col, 0)
        return 0
    lax.fori_loop(0, rows, body, 0)


@functools.partial(
    pl.kernel, mesh=_SC_MESH,
    out_type=jax.ShapeDtypeStruct((NSC * NPAD,), jnp.float32),
    scratch_types=[
        pltpu.VMEM((NC2, K), jnp.int32),
        pltpu.VMEM((APT,), jnp.float32),
        pltpu.VMEM((K,), jnp.float32),
        pltpu.VMEM_SHARED((NPAD,), jnp.float32),
    ])
def _sc_deg(dst2d, out, dst_v, zb, ones_v, hist):
    c = lax.axis_index("c")
    s = lax.axis_index("s")
    w = c * NTS + s
    pltpu.sync_copy(dst2d.at[pl.ds(w * NC2, NC2)], dst_v)
    _zero_vec(zb, APT)

    def fill1(i, _):
        ones_v[pl.ds(i * 16, 16)] = jnp.ones((16,), jnp.float32)
        return 0
    lax.fori_loop(0, K // 16, fill1, 0)

    pltpu.sync_copy(zb, hist.at[pl.ds(s * APT, APT)])
    plsc.subcore_barrier()

    def body(j, _):
        pltpu.sync_copy(ones_v, hist.at[dst_v.at[j]], add=True)
        return 0
    lax.fori_loop(0, NC2, body, 0)

    plsc.subcore_barrier()
    pltpu.sync_copy(hist.at[pl.ds(s * APT, APT)], zb)
    pltpu.sync_copy(zb, out.at[pl.ds(c * NPAD + s * APT, APT)])


@functools.partial(
    pl.kernel, mesh=_SC_MESH,
    out_type=jax.ShapeDtypeStruct((NSC, NPAD, CH), jnp.float32),
    scratch_types=[
        pltpu.VMEM((EPT1,), jnp.int32),
        pltpu.VMEM((NC1, K), jnp.int32),
        pltpu.VMEM((K, CH), jnp.float32),
        pltpu.VMEM((K, CH), jnp.float32),
        pltpu.VMEM_SHARED((NPAD, CH), jnp.float32),
        pltpu.SemaphoreType.DMA,
        pltpu.SemaphoreType.DMA,
    ])
def _sc_agg1(yws, srcl, dst2d, out, src_v, dst_v, ga, gb, acc, sa, sb):
    c = lax.axis_index("c")
    s = lax.axis_index("s")
    pltpu.sync_copy(srcl.at[pl.ds(s * EPT1, EPT1)], src_v)
    off = jnp.full((16,), c * N, jnp.int32)

    def addoff(i, _):
        src_v[pl.ds(i * 16, 16)] = src_v[pl.ds(i * 16, 16)] + off
        return 0
    lax.fori_loop(0, EPT1 // 16, addoff, 0)

    pltpu.sync_copy(dst2d.at[pl.ds(s * NC1, NC1)], dst_v)

    _zero_2d(ga, K, CH)

    def zacc(t, _):
        pltpu.sync_copy(ga, acc.at[pl.ds(s * APT + t * K, K)])
        return 0
    lax.fori_loop(0, NWB, zacc, 0)
    plsc.subcore_barrier()

    def gath(j, buf, sem):
        return pltpu.make_async_copy(
            yws.at[src_v.at[pl.ds(j * K, K)]], buf, sem)

    gath(0, ga, sa).start()

    def pair(p, _):
        j0 = 2 * p
        gath(j0 + 1, gb, sb).start()
        gath(j0, ga, sa).wait()
        pltpu.sync_copy(ga, acc.at[dst_v.at[j0]], add=True)

        @pl.when(j0 + 2 < NC1)
        def _():
            gath(j0 + 2, ga, sa).start()

        gath(j0 + 1, gb, sb).wait()
        pltpu.sync_copy(gb, acc.at[dst_v.at[j0 + 1]], add=True)
        return 0
    lax.fori_loop(0, NC1 // 2, pair, 0)

    plsc.subcore_barrier()

    def wb(t, _):
        pltpu.sync_copy(acc.at[pl.ds(s * APT + t * K, K)], ga)
        pltpu.sync_copy(ga, out.at[c, pl.ds(s * APT + t * K, K)])
        return 0
    lax.fori_loop(0, NWB, wb, 0)


def _agg2_half(yw2, srcl, dst2d, src_v, dst_v, ga, gb, acc, sa, sb,
               base_chunk, nchunks, table_off):
    ne = nchunks * K
    pltpu.sync_copy(srcl.at[pl.ds(base_chunk * K, ne)],
                    src_v.at[pl.ds(0, ne)])
    off = jnp.full((16,), table_off, jnp.int32)

    def addoff(i, _):
        src_v[pl.ds(i * 16, 16)] = src_v[pl.ds(i * 16, 16)] + off
        return 0
    lax.fori_loop(0, ne // 16, addoff, 0)

    pltpu.sync_copy(dst2d.at[pl.ds(base_chunk, nchunks)],
                    dst_v.at[pl.ds(0, nchunks)])

    def gath(j, buf, sem):
        return pltpu.make_async_copy(
            yw2.at[src_v.at[pl.ds(j * K, K)]], buf, sem)

    gath(0, ga, sa).start()

    def pair(p, _):
        j0 = 2 * p
        gath(j0 + 1, gb, sb).start()
        gath(j0, ga, sa).wait()
        pltpu.sync_copy(ga, acc.at[dst_v.at[j0]], add=True)

        @pl.when(j0 + 2 < nchunks)
        def _():
            gath(j0 + 2, ga, sa).start()

        gath(j0 + 1, gb, sb).wait()
        pltpu.sync_copy(gb, acc.at[dst_v.at[j0 + 1]], add=True)
        return 0
    lax.fori_loop(0, nchunks // 2, pair, 0)


@functools.partial(
    pl.kernel, mesh=_SC_MESH,
    out_type=jax.ShapeDtypeStruct((NSC, NPAD, C2), jnp.float32),
    scratch_types=[
        pltpu.VMEM((EPT2,), jnp.int32),
        pltpu.VMEM((NC2, K), jnp.int32),
        pltpu.VMEM((K, C2), jnp.float32),
        pltpu.VMEM((K, C2), jnp.float32),
        pltpu.VMEM_SHARED((NPAD, C2), jnp.float32),
        pltpu.SemaphoreType.DMA,
        pltpu.SemaphoreType.DMA,
    ])
def _sc_agg2(yw2, srcl, dst2d, out, src_v, dst_v, ga, gb, acc, sa, sb):
    c = lax.axis_index("c")
    s = lax.axis_index("s")
    w = c * NTS + s

    _zero_2d(ga, K, C2)

    def zacc(t, _):
        pltpu.sync_copy(ga, acc.at[pl.ds(s * APT + t * K, K)])
        return 0
    lax.fori_loop(0, NWB, zacc, 0)
    plsc.subcore_barrier()

    _agg2_half(yw2, srcl, dst2d, src_v, dst_v, ga, gb, acc, sa, sb,
               w * NC2, NC2, 0)

    plsc.subcore_barrier()

    def wb(t, _):
        pltpu.sync_copy(acc.at[pl.ds(s * APT + t * K, K)], ga)
        pltpu.sync_copy(ga, out.at[c, pl.ds(s * APT + t * K, K)])
        return 0
    lax.fori_loop(0, NWB, wb, 0)



@jax.jit
def kernel(x, edge_index, W1, b1, W2, b2):
    srcp = jnp.concatenate(
        [edge_index[0], jnp.zeros((EPAD - E,), jnp.int32)])
    pad_dst = N + jnp.arange(EPAD - E, dtype=jnp.int32) % (NPAD - N)
    dst2d = jnp.concatenate([edge_index[1], pad_dst]).reshape(ECH, K)
    b1r = b1.reshape(1, C_HID)
    b2r = b2.reshape(1, C_OUT)
    W2p = jnp.zeros((C_HID, C2), jnp.float32).at[:, :C_OUT].set(W2)

    degf = _sc_deg(dst2d)
    degp = degf.reshape(NSC, NPAD)[:, :N].T
    yws = _tc_a(degp, x, W1)
    yws_flat = yws.reshape(NSC * N, CH)
    agg1 = _sc_agg1(yws_flat, srcp, dst2d)
    yw2 = _tc_b(degp, agg1, yws, W2p, b1r)
    agg2p = _sc_agg2(yw2, srcp, dst2d)
    return _tc_c(degp, agg2p, yw2, b2r)

# --- scband reference (transcript-rebuilt; emitter-appended) ---
"""Pipeline reference for scband-gnnmodel-18056042513136 (READ-ONLY COPY).

The authoritative reference and input builder live on the scoring server;
editing this copy changes nothing except your own understanding.
"""

import jax, jax.numpy as jnp
import numpy as np

N_NODES = 10000
N_EDGES = 160000
C_IN = 256
C_HID = 256
C_OUT = 40


def gcn_conv(x, edge_index, W, b):
    # Faithful GCNConv: x' = W x, add self-loops, symmetric normalization,
    # scatter-add aggregation to destination nodes, then bias.
    n = x.shape[0]
    src = edge_index[0]
    dst = edge_index[1]
    loop = jnp.arange(n, dtype=src.dtype)
    src = jnp.concatenate([src, loop])
    dst = jnp.concatenate([dst, loop])
    deg = jnp.zeros((n,), dtype=x.dtype).at[dst].add(1.0)
    deg_inv_sqrt = jnp.where(deg > 0, deg ** -0.5, 0.0)
    norm = deg_inv_sqrt[src] * deg_inv_sqrt[dst]
    xw = x @ W
    msg = xw[src] * norm[:, None]
    out = jnp.zeros((n, W.shape[1]), dtype=x.dtype).at[dst].add(msg)
    return out + b


def setup_inputs(seed: int = 0) -> dict:
    key = jax.random.key(seed)
    ks = jax.random.split(key, 6)
    x = jax.random.normal(ks[0], (N_NODES, C_IN), dtype=jnp.float32)
    edge_index = jax.random.randint(ks[1], (2, N_EDGES), 0, N_NODES, dtype=jnp.int32)
    W1 = jax.random.normal(ks[2], (C_IN, C_HID), dtype=jnp.float32) * (1.0 / np.sqrt(C_IN))
    b1 = jnp.zeros((C_HID,), dtype=jnp.float32)
    W2 = jax.random.normal(ks[3], (C_HID, C_OUT), dtype=jnp.float32) * (1.0 / np.sqrt(C_HID))
    b2 = jnp.zeros((C_OUT,), dtype=jnp.float32)
    return {"x": x, "edge_index": edge_index, "W1": W1, "b1": b1, "W2": W2, "b2": b2}


def reference(x, edge_index, W1, b1, W2, b2):
    # Layer 1: GCNConv -> ReLU -> Dropout (identity in eval mode)
    h = gcn_conv(x, edge_index, W1, b1)
    h = jax.nn.relu(h)
    # Layer 2: GCNConv (output layer)
    out = gcn_conv(h, edge_index, W2, b2)
    return out

if __name__ == "__main__":
    import jax
    _d = setup_inputs()
    print(jax.jit(kernel)(*tuple(_d.values())))

</pallas_src>

<mosaic_0001>
#map = affine_map<(d0, d1) -> (0, 0)>
#map1 = affine_map<(d0, d1) -> (0)>
#map2 = affine_map<(d0, d1) -> (0, 0, 0)>
module attributes {stable_mosaic.version = 14 : i64} {
  func.func @_sc_agg1(%arg0: i32, %arg1: i32, %arg2: memref<20000x128xf32, #tpu.memory_space<hbm>>, %arg3: memref<163840xi32, #tpu.memory_space<hbm>>, %arg4: memref<2560x64xi32, #tpu.memory_space<hbm>>, %arg5: memref<2x10240x128xf32, #tpu.memory_space<hbm>>, %arg6: memref<10240xi32, #tpu.memory_space<vmem>>, %arg7: memref<160x64xi32, #tpu.memory_space<vmem>>, %arg8: memref<64x128xf32, #tpu.memory_space<vmem>>, %arg9: memref<64x128xf32, #tpu.memory_space<vmem>>, %arg10: memref<10240x128xf32, #tpu.memory_space<vmem_shared>>, %arg11: memref<!tpu.dma_semaphore, #tpu.memory_space<semaphore_mem>>, %arg12: memref<!tpu.dma_semaphore, #tpu.memory_space<semaphore_mem>>) attributes {dimension_semantics = [#tpu.dimension_semantics<core_parallel>, #tpu.dimension_semantics<subcore_parallel>], iteration_bounds = array<i64: 2, 16>, scalar_prefetch = 0 : i64, scratch_operands = 7 : i64, tpu.core_type = #tpu.core_type<sc_vector_subcore>, window_params = [{transform_indices = #map}, {transform_indices = #map1}, {transform_indices = #map}, {transform_indices = #map2}]} {
    %mul3A = arith.constant 10240 : i32
    %mul3A_0 = arith.muli %arg1, %mul3A : i32
    "tpu.region"() ({
      %run_scoped3A = tpu.sem_alloc : memref<!tpu.dma_semaphore, #tpu.memory_space<semaphore_mem>>
      %dma_start3A_44 = tpu.memref_slice %arg3[%mul3A_0] : memref<163840xi32, #tpu.memory_space<hbm>> -> memref<10240xi32, #tpu.memory_space<hbm>>
      %dma_start3A_45 = tpu.memref_slice %arg3[%mul3A_0] : memref<163840xi32, #tpu.memory_space<hbm>> -> memref<10240xi32, #tpu.memory_space<hbm>>
      tpu.enqueue_dma source(%dma_start3A_45 : memref<10240xi32, #tpu.memory_space<hbm>>) target(%arg6 : memref<10240xi32, #tpu.memory_space<vmem>>) target_semaphore(%run_scoped3A : memref<!tpu.dma_semaphore, #tpu.memory_space<semaphore_mem>>)
      %dma_wait3A = tpu.memref_slice %arg3[%mul3A_0] : memref<163840xi32, #tpu.memory_space<hbm>> -> memref<10240xi32, #tpu.memory_space<hbm>>
      %dma_wait3A_46 = tpu.memref_slice %arg3[%mul3A_0] : memref<163840xi32, #tpu.memory_space<hbm>> -> memref<10240xi32, #tpu.memory_space<hbm>>
      tpu.wait_dma2 semaphore(%run_scoped3A : memref<!tpu.dma_semaphore, #tpu.memory_space<semaphore_mem>>) src(%dma_wait3A_46 : memref<10240xi32, #tpu.memory_space<hbm>>) dst(%arg6 : memref<10240xi32, #tpu.memory_space<vmem>>)
      tpu.yield
    }) : () -> ()
    %mul3A_1 = arith.constant 10000 : i32
    %mul3A_2 = arith.muli %arg0, %mul3A_1 : i32
    %broadcast_in_dim3A = vector.broadcast %mul3A_2 : i32 to vector<16xi32>
    %scan3A = arith.constant 0 : i32
    %scan3A_3 = arith.constant 0 : i32
    %scan3A_4 = arith.constant 640 : i32
    %scan3A_5 = arith.addi %scan3A_3, %scan3A_4 : i32
    %scan3A_6 = arith.constant 1 : i32
    %scan3A_7 = scf.for %scan3A_44 = %scan3A_3 to %scan3A_5 step %scan3A_6 iter_args(%scan3A_45 = %scan3A) -> (i32)  : i32 {
      %mul3A_46 = arith.constant 16 : i32
      %mul3A_47 = arith.muli %scan3A_44, %mul3A_46 : i32
      %get3A = arith.index_cast %mul3A_47 : i32 to index
      %get3A_48 = tpu.vector_load %arg6[%get3A] {strides = array<i32>} : memref<10240xi32, #tpu.memory_space<vmem>>, vector<16xi32>,
      %get3A_49 = vector.shape_cast %get3A_48 : vector<16xi32> to vector<16xi32>
      %add3A = arith.addi %get3A_49, %broadcast_in_dim3A : vector<16xi32>
      %mul3A_50 = arith.constant 16 : i32
      %mul3A_51 = arith.muli %scan3A_44, %mul3A_50 : i32
      %swap3A = arith.index_cast %mul3A_51 : i32 to index
      %swap3A_52 = tpu.vector_load %arg6[%swap3A] {strides = array<i32>} : memref<10240xi32, #tpu.memory_space<vmem>>, vector<16xi32>,
      %swap3A_53 = vector.shape_cast %swap3A_52 : vector<16xi32> to vector<16xi32>
      %swap3A_54 = vector.shape_cast %add3A : vector<16xi32> to vector<16xi32>
      tpu.vector_store %arg6[%swap3A], %swap3A_54 {strides = array<i32>} : memref<10240xi32, #tpu.memory_space<vmem>>, vector<16xi32>,
      %scan3A_55 = arith.constant 0 : i32
      scf.yield %scan3A_55 : i32
    }
    %scan3A_8 = arith.constant 640 : i32
    %mul3A_9 = arith.constant 160 : i32
    %mul3A_10 = arith.muli %arg1, %mul3A_9 : i32
    "tpu.region"() ({
      %run_scoped3A = tpu.sem_alloc : memref<!tpu.dma_semaphore, #tpu.memory_space<semaphore_mem>>
      %dma_start3A_44 = arith.constant 0 : i32
      %dma_start3A_45 = tpu.memref_slice %arg4[%mul3A_10, %dma_start3A_44] : memref<2560x64xi32, #tpu.memory_space<hbm>> -> memref<160x64xi32, #tpu.memory_space<hbm>>
      %dma_start3A_46 = arith.constant 0 : i32
      %dma_start3A_47 = tpu.memref_slice %arg4[%mul3A_10, %dma_start3A_46] : memref<2560x64xi32, #tpu.memory_space<hbm>> -> memref<160x64xi32, #tpu.memory_space<hbm>>
      tpu.enqueue_dma source(%dma_start3A_47 : memref<160x64xi32, #tpu.memory_space<hbm>>) target(%arg7 : memref<160x64xi32, #tpu.memory_space<vmem>>) target_semaphore(%run_scoped3A : memref<!tpu.dma_semaphore, #tpu.memory_space<semaphore_mem>>)
      %dma_wait3A = arith.constant 0 : i32
      %dma_wait3A_48 = tpu.memref_slice %arg4[%mul3A_10, %dma_wait3A] : memref<2560x64xi32, #tpu.memory_space<hbm>> -> memref<160x64xi32, #tpu.memory_space<hbm>>
      %dma_wait3A_49 = arith.constant 0 : i32
      %dma_wait3A_50 = tpu.memref_slice %arg4[%mul3A_10, %dma_wait3A_49] : memref<2560x64xi32, #tpu.memory_space<hbm>> -> memref<160x64xi32, #tpu.memory_space<hbm>>
      tpu.wait_dma2 semaphore(%run_scoped3A : memref<!tpu.dma_semaphore, #tpu.memory_space<semaphore_mem>>) src(%dma_wait3A_50 : memref<160x64xi32, #tpu.memory_space<hbm>>) dst(%arg7 : memref<160x64xi32, #tpu.memory_space<vmem>>)
      tpu.yield
    }) : () -> ()
    %scan3A_11 = arith.constant 0 : i32
    %scan3A_12 = arith.constant 0 : i32
    %scan3A_13 = arith.constant 64 : i32
    %scan3A_14 = arith.addi %scan3A_12, %scan3A_13 : i32
    %scan3A_15 = arith.constant 1 : i32
    %scan3A_16 = scf.for %scan3A_44 = %scan3A_12 to %scan3A_14 step %scan3A_15 iter_args(%scan3A_45 = %scan3A_11) -> (i32)  : i32 {
      %scan3A_46 = arith.constant 0 : i32
      %scan3A_47 = arith.constant 0 : i32
      %scan3A_48 = arith.constant 8 : i32
      %scan3A_49 = arith.addi %scan3A_47, %scan3A_48 : i32
      %scan3A_50 = arith.constant 1 : i32
      %scan3A_51 = scf.for %scan3A_54 = %scan3A_47 to %scan3A_49 step %scan3A_50 iter_args(%scan3A_55 = %scan3A_46) -> (i32)  : i32 {
        %broadcast_in_dim3A_56 = arith.constant 0.000000e+00 : f32
        %broadcast_in_dim3A_57 = vector.broadcast %broadcast_in_dim3A_56 : f32 to vector<16xf32>
        %mul3A_58 = arith.constant 16 : i32
        %mul3A_59 = arith.muli %scan3A_54, %mul3A_58 : i32
        %swap3A = arith.index_cast %scan3A_44 : i32 to index
        %swap3A_60 = arith.index_cast %mul3A_59 : i32 to index
        %swap3A_61 = tpu.vector_load %arg8[%swap3A, %swap3A_60] {strides = array<i32>} : memref<64x128xf32, #tpu.memory_space<vmem>>, vector<1x16xf32>,
        %swap3A_62 = vector.shape_cast %swap3A_61 : vector<1x16xf32> to vector<16xf32>
        %swap3A_63 = vector.shape_cast %broadcast_in_dim3A_57 : vector<16xf32> to vector<1x16xf32>
        tpu.vector_store %arg8[%swap3A, %swap3A_60], %swap3A_63 {strides = array<i32>} : memref<64x128xf32, #tpu.memory_space<vmem>>, vector<1x16xf32>,
        %scan3A_64 = arith.constant 0 : i32
        scf.yield %scan3A_64 : i32
      }
      %scan3A_52 = arith.constant 8 : i32
      %scan3A_53 = arith.constant 0 : i32
      scf.yield %scan3A_53 : i32
    }
    %scan3A_17 = arith.constant 64 : i32
    %scan3A_18 = arith.constant 0 : i32
    %scan3A_19 = arith.constant 0 : i32
    %scan3A_20 = arith.constant 10 : i32
    %scan3A_21 = arith.addi %scan3A_19, %scan3A_20 : i32
    %scan3A_22 = arith.constant 1 : i32
    %scan3A_23 = scf.for %scan3A_44 = %scan3A_19 to %scan3A_21 step %scan3A_22 iter_args(%scan3A_45 = %scan3A_18) -> (i32)  : i32 {
      %mul3A_46 = arith.constant 640 : i32
      %mul3A_47 = arith.muli %arg1, %mul3A_46 : i32
      %mul3A_48 = arith.constant 64 : i32
      %mul3A_49 = arith.muli %scan3A_44, %mul3A_48 : i32
      %add3A = arith.addi %mul3A_47, %mul3A_49 : i32
      "tpu.region"() ({
        %run_scoped3A = tpu.sem_alloc : memref<!tpu.dma_semaphore, #tpu.memory_space<semaphore_mem>>
        %dma_start3A_51 = arith.constant 0 : i32
        %dma_start3A_52 = tpu.memref_slice %arg10[%add3A, %dma_start3A_51] : memref<10240x128xf32, #tpu.memory_space<vmem_shared>> -> memref<64x128xf32, #tpu.memory_space<vmem_shared>>
        %dma_start3A_53 = arith.constant 0 : i32
        %dma_start3A_54 = tpu.memref_slice %arg10[%add3A, %dma_start3A_53] : memref<10240x128xf32, #tpu.memory_space<vmem_shared>> -> memref<64x128xf32, #tpu.memory_space<vmem_shared>>
        tpu.enqueue_dma source(%arg8 : memref<64x128xf32, #tpu.memory_space<vmem>>) target(%dma_start3A_54 : memref<64x128xf32, #tpu.memory_space<vmem_shared>>) target_semaphore(%run_scoped3A : memref<!tpu.dma_semaphore, #tpu.memory_space<semaphore_mem>>)
        %dma_wait3A = arith.constant 0 : i32
        %dma_wait3A_55 = tpu.memref_slice %arg10[%add3A, %dma_wait3A] : memref<10240x128xf32, #tpu.memory_space<vmem_shared>> -> memref<64x128xf32, #tpu.memory_space<vmem_shared>>
        %dma_wait3A_56 = arith.constant 0 : i32
        %dma_wait3A_57 = tpu.memref_slice %arg10[%add3A, %dma_wait3A_56] : memref<10240x128xf32, #tpu.memory_space<vmem_shared>> -> memref<64x128xf32, #tpu.memory_space<vmem_shared>>
        tpu.wait_dma2 semaphore(%run_scoped3A : memref<!tpu.dma_semaphore, #tpu.memory_space<semaphore_mem>>) src(%arg8 : memref<64x128xf32, #tpu.memory_space<vmem>>) dst(%dma_wait3A_57 : memref<64x128xf32, #tpu.memory_space<vmem_shared>>)
        tpu.yield
      }) : () -> ()
      %scan3A_50 = arith.constant 0 : i32
      scf.yield %scan3A_50 : i32
    }
    %scan3A_24 = arith.constant 10 : i32
    %barrier3A = arith.constant 0 : index
    tpu.barrier barrier_id(%barrier3A)
    %dma_start3A = arith.constant 0 : i32
    %dma_start3A_25 = tpu.memref_slice %arg6[%dma_start3A] : memref<10240xi32, #tpu.memory_space<vmem>> -> memref<64xi32, #tpu.memory_space<vmem>>
    %dma_start3A_26 = arith.constant 0 : i32
    %dma_start3A_27 = arith.constant 0 : i32
    %dma_start3A_28 = tpu.memref_slice %arg2[%dma_start3A_26, %dma_start3A_27] : memref<20000x128xf32, #tpu.memory_space<hbm>> -> memref<20000x128xf32, #tpu.memory_space<hbm>>
    tpu.enqueue_indirect_dma source(%dma_start3A_28 : memref<20000x128xf32, #tpu.memory_space<hbm>>) target(%arg8 : memref<64x128xf32, #tpu.memory_space<vmem>>) offsets(%dma_start3A_25 : memref<64xi32, #tpu.memory_space<vmem>>) semaphore(%arg11 : memref<!tpu.dma_semaphore, #tpu.memory_space<semaphore_mem>>)
    %scan3A_29 = arith.constant 0 : i32
    %scan3A_30 = arith.constant 0 : i32
    %scan3A_31 = arith.constant 80 : i32
    %scan3A_32 = arith.addi %scan3A_30, %scan3A_31 : i32
    %scan3A_33 = arith.constant 1 : i32
    %scan3A_34 = scf.for %scan3A_44 = %scan3A_30 to %scan3A_32 step %scan3A_33 iter_args(%scan3A_45 = %scan3A_29) -> (i32)  : i32 {
      %mul3A_46 = arith.constant 2 : i32
      %mul3A_47 = arith.muli %mul3A_46, %scan3A_44 : i32
      %add3A = arith.constant 1 : i32
      %add3A_48 = arith.addi %mul3A_47, %add3A : i32
      %mul3A_49 = arith.constant 64 : i32
      %mul3A_50 = arith.muli %add3A_48, %mul3A_49 : i32
      %dma_start3A_51 = tpu.memref_slice %arg6[%mul3A_50] : memref<10240xi32, #tpu.memory_space<vmem>> -> memref<64xi32, #tpu.memory_space<vmem>>
      %dma_start3A_52 = arith.constant 0 : i32
      %dma_start3A_53 = arith.constant 0 : i32
      %dma_start3A_54 = tpu.memref_slice %arg2[%dma_start3A_52, %dma_start3A_53] : memref<20000x128xf32, #tpu.memory_space<hbm>> -> memref<20000x128xf32, #tpu.memory_space<hbm>>
      tpu.enqueue_indirect_dma source(%dma_start3A_54 : memref<20000x128xf32, #tpu.memory_space<hbm>>) target(%arg9 : memref<64x128xf32, #tpu.memory_space<vmem>>) offsets(%dma_start3A_51 : memref<64xi32, #tpu.memory_space<vmem>>) semaphore(%arg12 : memref<!tpu.dma_semaphore, #tpu.memory_space<semaphore_mem>>)
      %mul3A_55 = arith.constant 64 : i32
      %mul3A_56 = arith.muli %mul3A_47, %mul3A_55 : i32
      %dma_wait3A = tpu.memref_slice %arg6[%mul3A_56] : memref<10240xi32, #tpu.memory_space<vmem>> -> memref<64xi32, #tpu.memory_space<vmem>>
      %dma_wait3A_57 = arith.constant 0 : i32
      %dma_wait3A_58 = arith.constant 0 : i32
      %dma_wait3A_59 = tpu.memref_slice %arg2[%dma_wait3A_57, %dma_wait3A_58] : memref<20000x128xf32, #tpu.memory_space<hbm>> -> memref<20000x128xf32, #tpu.memory_space<hbm>>
      tpu.wait_indirect_dma semaphore(%arg11 : memref<!tpu.dma_semaphore, #tpu.memory_space<semaphore_mem>>) src(%dma_wait3A_59 : memref<20000x128xf32, #tpu.memory_space<hbm>>) dst(%arg8 : memref<64x128xf32, #tpu.memory_space<vmem>>)
      "tpu.region"() ({
        %run_scoped3A = tpu.sem_alloc : memref<!tpu.dma_semaphore, #tpu.memory_space<semaphore_mem>>
        %dma_start3A_75 = arith.constant 0 : i32
        %dma_start3A_76 = tpu.memref_slice %arg7[%mul3A_47, %dma_start3A_75] : memref<160x64xi32, #tpu.memory_space<vmem>> -> memref<1x64xi32, #tpu.memory_space<vmem>>
        %dma_start3A_77 = tpu.memref_squeeze %dma_start3A_76 : memref<1x64xi32, #tpu.memory_space<vmem>> -> memref<64xi32, #tpu.memory_space<vmem>>
        %dma_start3A_78 = arith.constant 0 : i32
        %dma_start3A_79 = arith.constant 0 : i32
        %dma_start3A_80 = tpu.memref_slice %arg10[%dma_start3A_78, %dma_start3A_79] : memref<10240x128xf32, #tpu.memory_space<vmem_shared>> -> memref<10240x128xf32, #tpu.memory_space<vmem_shared>>
        tpu.enqueue_indirect_dma source(%arg8 : memref<64x128xf32, #tpu.memory_space<vmem>>) target(%dma_start3A_80 : memref<10240x128xf32, #tpu.memory_space<vmem_shared>>) offsets(%dma_start3A_77 : memref<64xi32, #tpu.memory_space<vmem>>) semaphore(%run_scoped3A : memref<!tpu.dma_semaphore, #tpu.memory_space<semaphore_mem>>) {add = true}
        %dma_wait3A_81 = arith.constant 0 : i32
        %dma_wait3A_82 = tpu.memref_slice %arg7[%mul3A_47, %dma_wait3A_81] : memref<160x64xi32, #tpu.memory_space<vmem>> -> memref<1x64xi32, #tpu.memory_space<vmem>>
        %dma_wait3A_83 = tpu.memref_squeeze %dma_wait3A_82 : memref<1x64xi32, #tpu.memory_space<vmem>> -> memref<64xi32, #tpu.memory_space<vmem>>
        %dma_wait3A_84 = arith.constant 0 : i32
        %dma_wait3A_85 = arith.constant 0 : i32
        %dma_wait3A_86 = tpu.memref_slice %arg10[%dma_wait3A_84, %dma_wait3A_85] : memref<10240x128xf32, #tpu.memory_space<vmem_shared>> -> memref<10240x128xf32, #tpu.memory_space<vmem_shared>>
        tpu.wait_indirect_dma semaphore(%run_scoped3A : memref<!tpu.dma_semaphore, #tpu.memory_space<semaphore_mem>>) src(%arg8 : memref<64x128xf32, #tpu.memory_space<vmem>>) dst(%dma_wait3A_86 : memref<10240x128xf32, #tpu.memory_space<vmem_shared>>)
        tpu.yield
      }) : () -> ()
      %add3A_60 = arith.constant 2 : i32
      %add3A_61 = arith.addi %mul3A_47, %add3A_60 : i32
      %lt3A = arith.constant 160 : i32
      %lt3A_62 = arith.cmpi slt, %add3A_61, %lt3A : i32
      %convert_element_type3A = arith.extui %lt3A_62 : i1 to i32
      %cond3A = arith.constant 0 : i32
      %cond3A_63 = arith.cmpi ne, %convert_element_type3A, %cond3A : i32
      scf.if %cond3A_63 {
        %add3A_75 = arith.constant 2 : i32
        %add3A_76 = arith.addi %mul3A_47, %add3A_75 : i32
        %mul3A_77 = arith.constant 64 : i32
        %mul3A_78 = arith.muli %add3A_76, %mul3A_77 : i32
        %dma_start3A_79 = tpu.memref_slice %arg6[%mul3A_78] : memref<10240xi32, #tpu.memory_space<vmem>> -> memref<64xi32, #tpu.memory_space<vmem>>
        %dma_start3A_80 = arith.constant 0 : i32
        %dma_start3A_81 = arith.constant 0 : i32
        %dma_start3A_82 = tpu.memref_slice %arg2[%dma_start3A_80, %dma_start3A_81] : memref<20000x128xf32, #tpu.memory_space<hbm>> -> memref<20000x128xf32, #tpu.memory_space<hbm>>
        tpu.enqueue_indirect_dma source(%dma_start3A_82 : memref<20000x128xf32, #tpu.memory_space<hbm>>) target(%arg8 : memref<64x128xf32, #tpu.memory_space<vmem>>) offsets(%dma_start3A_79 : memref<64xi32, #tpu.memory_space<vmem>>) semaphore(%arg11 : memref<!tpu.dma_semaphore, #tpu.memory_space<semaphore_mem>>)
      } else {
      }
      %add3A_64 = arith.constant 1 : i32
      %add3A_65 = arith.addi %mul3A_47, %add3A_64 : i32
      %mul3A_66 = arith.constant 64 : i32
      %mul3A_67 = arith.muli %add3A_65, %mul3A_66 : i32
      %dma_wait3A_68 = tpu.memref_slice %arg6[%mul3A_67] : memref<10240xi32, #tpu.memory_space<vmem>> -> memref<64xi32, #tpu.memory_space<vmem>>
      %dma_wait3A_69 = arith.constant 0 : i32
      %dma_wait3A_70 = arith.constant 0 : i32
      %dma_wait3A_71 = tpu.memref_slice %arg2[%dma_wait3A_69, %dma_wait3A_70] : memref<20000x128xf32, #tpu.memory_space<hbm>> -> memref<20000x128xf32, #tpu.memory_space<hbm>>
      tpu.wait_indirect_dma semaphore(%arg12 : memref<!tpu.dma_semaphore, #tpu.memory_space<semaphore_mem>>) src(%dma_wait3A_71 : memref<20000x128xf32, #tpu.memory_space<hbm>>) dst(%arg9 : memref<64x128xf32, #tpu.memory_space<vmem>>)
      %add3A_72 = arith.constant 1 : i32
      %add3A_73 = arith.addi %mul3A_47, %add3A_72 : i32
      "tpu.region"() ({
        %run_scoped3A = tpu.sem_alloc : memref<!tpu.dma_semaphore, #tpu.memory_space<semaphore_mem>>
        %dma_start3A_75 = arith.constant 0 : i32
        %dma_start3A_76 = tpu.memref_slice %arg7[%add3A_73, %dma_start3A_75] : memref<160x64xi32, #tpu.memory_space<vmem>> -> memref<1x64xi32, #tpu.memory_space<vmem>>
        %dma_start3A_77 = tpu.memref_squeeze %dma_start3A_76 : memref<1x64xi32, #tpu.memory_space<vmem>> -> memref<64xi32, #tpu.memory_space<vmem>>
        %dma_start3A_78 = arith.constant 0 : i32
        %dma_start3A_79 = arith.constant 0 : i32
        %dma_start3A_80 = tpu.memref_slice %arg10[%dma_start3A_78, %dma_start3A_79] : memref<10240x128xf32, #tpu.memory_space<vmem_shared>> -> memref<10240x128xf32, #tpu.memory_space<vmem_shared>>
        tpu.enqueue_indirect_dma source(%arg9 : memref<64x128xf32, #tpu.memory_space<vmem>>) target(%dma_start3A_80 : memref<10240x128xf32, #tpu.memory_space<vmem_shared>>) offsets(%dma_start3A_77 : memref<64xi32, #tpu.memory_space<vmem>>) semaphore(%run_scoped3A : memref<!tpu.dma_semaphore, #tpu.memory_space<semaphore_mem>>) {add = true}
        %dma_wait3A_81 = arith.constant 0 : i32
        %dma_wait3A_82 = tpu.memref_slice %arg7[%add3A_73, %dma_wait3A_81] : memref<160x64xi32, #tpu.memory_space<vmem>> -> memref<1x64xi32, #tpu.memory_space<vmem>>
        %dma_wait3A_83 = tpu.memref_squeeze %dma_wait3A_82 : memref<1x64xi32, #tpu.memory_space<vmem>> -> memref<64xi32, #tpu.memory_space<vmem>>
        %dma_wait3A_84 = arith.constant 0 : i32
        %dma_wait3A_85 = arith.constant 0 : i32
        %dma_wait3A_86 = tpu.memref_slice %arg10[%dma_wait3A_84, %dma_wait3A_85] : memref<10240x128xf32, #tpu.memory_space<vmem_shared>> -> memref<10240x128xf32, #tpu.memory_space<vmem_shared>>
        tpu.wait_indirect_dma semaphore(%run_scoped3A : memref<!tpu.dma_semaphore, #tpu.memory_space<semaphore_mem>>) src(%arg9 : memref<64x128xf32, #tpu.memory_space<vmem>>) dst(%dma_wait3A_86 : memref<10240x128xf32, #tpu.memory_space<vmem_shared>>)
        tpu.yield
      }) : () -> ()
      %scan3A_74 = arith.constant 0 : i32
      scf.yield %scan3A_74 : i32
    }
    %scan3A_35 = arith.constant 80 : i32
    %barrier3A_36 = arith.constant 0 : index
    tpu.barrier barrier_id(%barrier3A_36)
    %scan3A_37 = arith.constant 0 : i32
    %scan3A_38 = arith.constant 0 : i32
    %scan3A_39 = arith.constant 10 : i32
    %scan3A_40 = arith.addi %scan3A_38, %scan3A_39 : i32
    %scan3A_41 = arith.constant 1 : i32
    %scan3A_42 = scf.for %scan3A_44 = %scan3A_38 to %scan3A_40 step %scan3A_41 iter_args(%scan3A_45 = %scan3A_37) -> (i32)  : i32 {
      %mul3A_46 = arith.constant 640 : i32
      %mul3A_47 = arith.muli %arg1, %mul3A_46 : i32
      %mul3A_48 = arith.constant 64 : i32
      %mul3A_49 = arith.muli %scan3A_44, %mul3A_48 : i32
      %add3A = arith.addi %mul3A_47, %mul3A_49 : i32
      "tpu.region"() ({
        %run_scoped3A = tpu.sem_alloc : memref<!tpu.dma_semaphore, #tpu.memory_space<semaphore_mem>>
        %dma_start3A_56 = arith.constant 0 : i32
        %dma_start3A_57 = tpu.memref_slice %arg10[%add3A, %dma_start3A_56] : memref<10240x128xf32, #tpu.memory_space<vmem_shared>> -> memref<64x128xf32, #tpu.memory_space<vmem_shared>>
        %dma_start3A_58 = arith.constant 0 : i32
        %dma_start3A_59 = tpu.memref_slice %arg10[%add3A, %dma_start3A_58] : memref<10240x128xf32, #tpu.memory_space<vmem_shared>> -> memref<64x128xf32, #tpu.memory_space<vmem_shared>>
        tpu.enqueue_dma source(%dma_start3A_59 : memref<64x128xf32, #tpu.memory_space<vmem_shared>>) target(%arg8 : memref<64x128xf32, #tpu.memory_space<vmem>>) target_semaphore(%run_scoped3A : memref<!tpu.dma_semaphore, #tpu.memory_space<semaphore_mem>>)
        %dma_wait3A = arith.constant 0 : i32
        %dma_wait3A_60 = tpu.memref_slice %arg10[%add3A, %dma_wait3A] : memref<10240x128xf32, #tpu.memory_space<vmem_shared>> -> memref<64x128xf32, #tpu.memory_space<vmem_shared>>
        %dma_wait3A_61 = arith.constant 0 : i32
        %dma_wait3A_62 = tpu.memref_slice %arg10[%add3A, %dma_wait3A_61] : memref<10240x128xf32, #tpu.memory_space<vmem_shared>> -> memref<64x128xf32, #tpu.memory_space<vmem_shared>>
        tpu.wait_dma2 semaphore(%run_scoped3A : memref<!tpu.dma_semaphore, #tpu.memory_space<semaphore_mem>>) src(%dma_wait3A_62 : memref<64x128xf32, #tpu.memory_space<vmem_shared>>) dst(%arg8 : memref<64x128xf32, #tpu.memory_space<vmem>>)
        tpu.yield
      }) : () -> ()
      %mul3A_50 = arith.constant 640 : i32
      %mul3A_51 = arith.muli %arg1, %mul3A_50 : i32
      %mul3A_52 = arith.constant 64 : i32
      %mul3A_53 = arith.muli %scan3A_44, %mul3A_52 : i32
      %add3A_54 = arith.addi %mul3A_51, %mul3A_53 : i32
      "tpu.region"() ({
        %run_scoped3A = tpu.sem_alloc : memref<!tpu.dma_semaphore, #tpu.memory_space<semaphore_mem>>
        %dma_start3A_56 = arith.constant 0 : i32
        %dma_start3A_57 = tpu.memref_slice %arg5[%arg0, %add3A_54, %dma_start3A_56] : memref<2x10240x128xf32, #tpu.memory_space<hbm>> -> memref<1x64x128xf32, #tpu.memory_space<hbm>>
        %dma_start3A_58 = tpu.memref_squeeze %dma_start3A_57 : memref<1x64x128xf32, #tpu.memory_space<hbm>> -> memref<64x128xf32, #tpu.memory_space<hbm>>
        %dma_start3A_59 = arith.constant 0 : i32
        %dma_start3A_60 = tpu.memref_slice %arg5[%arg0, %add3A_54, %dma_start3A_59] : memref<2x10240x128xf32, #tpu.memory_space<hbm>> -> memref<1x64x128xf32, #tpu.memory_space<hbm>>
        %dma_start3A_61 = tpu.memref_squeeze %dma_start3A_60 : memref<1x64x128xf32, #tpu.memory_space<hbm>> -> memref<64x128xf32, #tpu.memory_space<hbm>>
        tpu.enqueue_dma source(%arg8 : memref<64x128xf32, #tpu.memory_space<vmem>>) target(%dma_start3A_61 : memref<64x128xf32, #tpu.memory_space<hbm>>) target_semaphore(%run_scoped3A : memref<!tpu.dma_semaphore, #tpu.memory_space<semaphore_mem>>)
        %dma_wait3A = arith.constant 0 : i32
        %dma_wait3A_62 = tpu.memref_slice %arg5[%arg0, %add3A_54, %dma_wait3A] : memref<2x10240x128xf32, #tpu.memory_space<hbm>> -> memref<1x64x128xf32, #tpu.memory_space<hbm>>
        %dma_wait3A_63 = tpu.memref_squeeze %dma_wait3A_62 : memref<1x64x128xf32, #tpu.memory_space<hbm>> -> memref<64x128xf32, #tpu.memory_space<hbm>>
        %dma_wait3A_64 = arith.constant 0 : i32
        %dma_wait3A_65 = tpu.memref_slice %arg5[%arg0, %add3A_54, %dma_wait3A_64] : memref<2x10240x128xf32, #tpu.memory_space<hbm>> -> memref<1x64x128xf32, #tpu.memory_space<hbm>>
        %dma_wait3A_66 = tpu.memref_squeeze %dma_wait3A_65 : memref<1x64x128xf32, #tpu.memory_space<hbm>> -> memref<64x128xf32, #tpu.memory_space<hbm>>
        tpu.wait_dma2 semaphore(%run_scoped3A : memref<!tpu.dma_semaphore, #tpu.memory_space<semaphore_mem>>) src(%arg8 : memref<64x128xf32, #tpu.memory_space<vmem>>) dst(%dma_wait3A_66 : memref<64x128xf32, #tpu.memory_space<hbm>>)
        tpu.yield
      }) : () -> ()
      %scan3A_55 = arith.constant 0 : i32
      scf.yield %scan3A_55 : i32
    }
    %scan3A_43 = arith.constant 10 : i32
    return
  }
}

#map = affine_map<(d0, d1) -> (0, 0)>
#map1 = affine_map<(d0, d1) -> (0)>
#map2 = affine_map<(d0, d1) -> (0, 0, 0)>
module attributes {stable_mosaic.version = 14 : i64} {
  func.func @_sc_agg2(%arg0: i32, %arg1: i32, %arg2: memref<10000x128xf32, #tpu.memory_space<hbm>>, %arg3: memref<163840xi32, #tpu.memory_space<hbm>>, %arg4: memref<2560x64xi32, #tpu.memory_space<hbm>>, %arg5: memref<2x10240x128xf32, #tpu.memory_space<hbm>>, %arg6: memref<5120xi32, #tpu.memory_space<vmem>>, %arg7: memref<80x64xi32, #tpu.memory_space<vmem>>, %arg8: memref<64x128xf32, #tpu.memory_space<vmem>>, %arg9: memref<64x128xf32, #tpu.memory_space<vmem>>, %arg10: memref<10240x128xf32, #tpu.memory_space<vmem_shared>>, %arg11: memref<!tpu.dma_semaphore, #tpu.memory_space<semaphore_mem>>, %arg12: memref<!tpu.dma_semaphore, #tpu.memory_space<semaphore_mem>>) attributes {dimension_semantics = [#tpu.dimension_semantics<core_parallel>, #tpu.dimension_semantics<subcore_parallel>], iteration_bounds = array<i64: 2, 16>, scalar_prefetch = 0 : i64, scratch_operands = 7 : i64, tpu.core_type = #tpu.core_type<sc_vector_subcore>, window_params = [{transform_indices = #map}, {transform_indices = #map1}, {transform_indices = #map}, {transform_indices = #map2}]} {
    %mul3A = arith.constant 16 : i32
    %mul3A_0 = arith.muli %arg0, %mul3A : i32
    %add3A = arith.addi %mul3A_0, %arg1 : i32
    %scan3A = arith.constant 0 : i32
    %scan3A_1 = arith.constant 0 : i32
    %scan3A_2 = arith.constant 64 : i32
    %scan3A_3 = arith.addi %scan3A_1, %scan3A_2 : i32
    %scan3A_4 = arith.constant 1 : i32
    %scan3A_5 = scf.for %scan3A_45 = %scan3A_1 to %scan3A_3 step %scan3A_4 iter_args(%scan3A_46 = %scan3A) -> (i32)  : i32 {
      %scan3A_47 = arith.constant 0 : i32
      %scan3A_48 = arith.constant 0 : i32
      %scan3A_49 = arith.constant 8 : i32
      %scan3A_50 = arith.addi %scan3A_48, %scan3A_49 : i32
      %scan3A_51 = arith.constant 1 : i32
      %scan3A_52 = scf.for %scan3A_55 = %scan3A_48 to %scan3A_50 step %scan3A_51 iter_args(%scan3A_56 = %scan3A_47) -> (i32)  : i32 {
        %broadcast_in_dim3A_57 = arith.constant 0.000000e+00 : f32
        %broadcast_in_dim3A_58 = vector.broadcast %broadcast_in_dim3A_57 : f32 to vector<16xf32>
        %mul3A_59 = arith.constant 16 : i32
        %mul3A_60 = arith.muli %scan3A_55, %mul3A_59 : i32
        %swap3A = arith.index_cast %scan3A_45 : i32 to index
        %swap3A_61 = arith.index_cast %mul3A_60 : i32 to index
        %swap3A_62 = tpu.vector_load %arg8[%swap3A, %swap3A_61] {strides = array<i32>} : memref<64x128xf32, #tpu.memory_space<vmem>>, vector<1x16xf32>,
        %swap3A_63 = vector.shape_cast %swap3A_62 : vector<1x16xf32> to vector<16xf32>
        %swap3A_64 = vector.shape_cast %broadcast_in_dim3A_58 : vector<16xf32> to vector<1x16xf32>
        tpu.vector_store %arg8[%swap3A, %swap3A_61], %swap3A_64 {strides = array<i32>} : memref<64x128xf32, #tpu.memory_space<vmem>>, vector<1x16xf32>,
        %scan3A_65 = arith.constant 0 : i32
        scf.yield %scan3A_65 : i32
      }
      %scan3A_53 = arith.constant 8 : i32
      %scan3A_54 = arith.constant 0 : i32
      scf.yield %scan3A_54 : i32
    }
    %scan3A_6 = arith.constant 64 : i32
    %scan3A_7 = arith.constant 0 : i32
    %scan3A_8 = arith.constant 0 : i32
    %scan3A_9 = arith.constant 10 : i32
    %scan3A_10 = arith.addi %scan3A_8, %scan3A_9 : i32
    %scan3A_11 = arith.constant 1 : i32
    %scan3A_12 = scf.for %scan3A_45 = %scan3A_8 to %scan3A_10 step %scan3A_11 iter_args(%scan3A_46 = %scan3A_7) -> (i32)  : i32 {
      %mul3A_47 = arith.constant 640 : i32
      %mul3A_48 = arith.muli %arg1, %mul3A_47 : i32
      %mul3A_49 = arith.constant 64 : i32
      %mul3A_50 = arith.muli %scan3A_45, %mul3A_49 : i32
      %add3A_51 = arith.addi %mul3A_48, %mul3A_50 : i32
      "tpu.region"() ({
        %run_scoped3A = tpu.sem_alloc : memref<!tpu.dma_semaphore, #tpu.memory_space<semaphore_mem>>
        %dma_start3A_53 = arith.constant 0 : i32
        %dma_start3A_54 = tpu.memref_slice %arg10[%add3A_51, %dma_start3A_53] : memref<10240x128xf32, #tpu.memory_space<vmem_shared>> -> memref<64x128xf32, #tpu.memory_space<vmem_shared>>
        %dma_start3A_55 = arith.constant 0 : i32
        %dma_start3A_56 = tpu.memref_slice %arg10[%add3A_51, %dma_start3A_55] : memref<10240x128xf32, #tpu.memory_space<vmem_shared>> -> memref<64x128xf32, #tpu.memory_space<vmem_shared>>
        tpu.enqueue_dma source(%arg8 : memref<64x128xf32, #tpu.memory_space<vmem>>) target(%dma_start3A_56 : memref<64x128xf32, #tpu.memory_space<vmem_shared>>) target_semaphore(%run_scoped3A : memref<!tpu.dma_semaphore, #tpu.memory_space<semaphore_mem>>)
        %dma_wait3A = arith.constant 0 : i32
        %dma_wait3A_57 = tpu.memref_slice %arg10[%add3A_51, %dma_wait3A] : memref<10240x128xf32, #tpu.memory_space<vmem_shared>> -> memref<64x128xf32, #tpu.memory_space<vmem_shared>>
        %dma_wait3A_58 = arith.constant 0 : i32
        %dma_wait3A_59 = tpu.memref_slice %arg10[%add3A_51, %dma_wait3A_58] : memref<10240x128xf32, #tpu.memory_space<vmem_shared>> -> memref<64x128xf32, #tpu.memory_space<vmem_shared>>
        tpu.wait_dma2 semaphore(%run_scoped3A : memref<!tpu.dma_semaphore, #tpu.memory_space<semaphore_mem>>) src(%arg8 : memref<64x128xf32, #tpu.memory_space<vmem>>) dst(%dma_wait3A_59 : memref<64x128xf32, #tpu.memory_space<vmem_shared>>)
        tpu.yield
      }) : () -> ()
      %scan3A_52 = arith.constant 0 : i32
      scf.yield %scan3A_52 : i32
    }
    %scan3A_13 = arith.constant 10 : i32
    %barrier3A = arith.constant 0 : index
    tpu.barrier barrier_id(%barrier3A)
    %mul3A_14 = arith.constant 80 : i32
    %mul3A_15 = arith.muli %add3A, %mul3A_14 : i32
    %mul3A_16 = arith.constant 64 : i32
    %mul3A_17 = arith.muli %mul3A_15, %mul3A_16 : i32
    "tpu.region"() ({
      %run_scoped3A = tpu.sem_alloc : memref<!tpu.dma_semaphore, #tpu.memory_space<semaphore_mem>>
      %dma_start3A_45 = arith.constant 0 : i32
      %dma_start3A_46 = tpu.memref_slice %arg6[%dma_start3A_45] : memref<5120xi32, #tpu.memory_space<vmem>> -> memref<5120xi32, #tpu.memory_space<vmem>>
      %dma_start3A_47 = tpu.memref_slice %arg3[%mul3A_17] : memref<163840xi32, #tpu.memory_space<hbm>> -> memref<5120xi32, #tpu.memory_space<hbm>>
      %dma_start3A_48 = arith.constant 0 : i32
      %dma_start3A_49 = tpu.memref_slice %arg6[%dma_start3A_48] : memref<5120xi32, #tpu.memory_space<vmem>> -> memref<5120xi32, #tpu.memory_space<vmem>>
      %dma_start3A_50 = tpu.memref_slice %arg3[%mul3A_17] : memref<163840xi32, #tpu.memory_space<hbm>> -> memref<5120xi32, #tpu.memory_space<hbm>>
      tpu.enqueue_dma source(%dma_start3A_50 : memref<5120xi32, #tpu.memory_space<hbm>>) target(%dma_start3A_49 : memref<5120xi32, #tpu.memory_space<vmem>>) target_semaphore(%run_scoped3A : memref<!tpu.dma_semaphore, #tpu.memory_space<semaphore_mem>>)
      %dma_wait3A = arith.constant 0 : i32
      %dma_wait3A_51 = tpu.memref_slice %arg6[%dma_wait3A] : memref<5120xi32, #tpu.memory_space<vmem>> -> memref<5120xi32, #tpu.memory_space<vmem>>
      %dma_wait3A_52 = tpu.memref_slice %arg3[%mul3A_17] : memref<163840xi32, #tpu.memory_space<hbm>> -> memref<5120xi32, #tpu.memory_space<hbm>>
      %dma_wait3A_53 = arith.constant 0 : i32
      %dma_wait3A_54 = tpu.memref_slice %arg6[%dma_wait3A_53] : memref<5120xi32, #tpu.memory_space<vmem>> -> memref<5120xi32, #tpu.memory_space<vmem>>
      %dma_wait3A_55 = tpu.memref_slice %arg3[%mul3A_17] : memref<163840xi32, #tpu.memory_space<hbm>> -> memref<5120xi32, #tpu.memory_space<hbm>>
      tpu.wait_dma2 semaphore(%run_scoped3A : memref<!tpu.dma_semaphore, #tpu.memory_space<semaphore_mem>>) src(%dma_wait3A_55 : memref<5120xi32, #tpu.memory_space<hbm>>) dst(%dma_wait3A_54 : memref<5120xi32, #tpu.memory_space<vmem>>)
      tpu.yield
    }) : () -> ()
    %broadcast_in_dim3A = arith.constant 0 : i32
    %broadcast_in_dim3A_18 = vector.broadcast %broadcast_in_dim3A : i32 to vector<16xi32>
    %scan3A_19 = arith.constant 0 : i32
    %scan3A_20 = arith.constant 0 : i32
    %scan3A_21 = arith.constant 320 : i32
    %scan3A_22 = arith.addi %scan3A_20, %scan3A_21 : i32
    %scan3A_23 = arith.constant 1 : i32
    %scan3A_24 = scf.for %scan3A_45 = %scan3A_20 to %scan3A_22 step %scan3A_23 iter_args(%scan3A_46 = %scan3A_19) -> (i32)  : i32 {
      %mul3A_47 = arith.constant 16 : i32
      %mul3A_48 = arith.muli %scan3A_45, %mul3A_47 : i32
      %get3A = arith.index_cast %mul3A_48 : i32 to index
      %get3A_49 = tpu.vector_load %arg6[%get3A] {strides = array<i32>} : memref<5120xi32, #tpu.memory_space<vmem>>, vector<16xi32>,
      %get3A_50 = vector.shape_cast %get3A_49 : vector<16xi32> to vector<16xi32>
      %add3A_51 = arith.addi %get3A_50, %broadcast_in_dim3A_18 : vector<16xi32>
      %mul3A_52 = arith.constant 16 : i32
      %mul3A_53 = arith.muli %scan3A_45, %mul3A_52 : i32
      %swap3A = arith.index_cast %mul3A_53 : i32 to index
      %swap3A_54 = tpu.vector_load %arg6[%swap3A] {strides = array<i32>} : memref<5120xi32, #tpu.memory_space<vmem>>, vector<16xi32>,
      %swap3A_55 = vector.shape_cast %swap3A_54 : vector<16xi32> to vector<16xi32>
      %swap3A_56 = vector.shape_cast %add3A_51 : vector<16xi32> to vector<16xi32>
      tpu.vector_store %arg6[%swap3A], %swap3A_56 {strides = array<i32>} : memref<5120xi32, #tpu.memory_space<vmem>>, vector<16xi32>,
      %scan3A_57 = arith.constant 0 : i32
      scf.yield %scan3A_57 : i32
    }
    %scan3A_25 = arith.constant 320 : i32
    "tpu.region"() ({
      %run_scoped3A = tpu.sem_alloc : memref<!tpu.dma_semaphore, #tpu.memory_space<semaphore_mem>>
      %dma_start3A_45 = arith.constant 0 : i32
      %dma_start3A_46 = arith.constant 0 : i32
      %dma_start3A_47 = tpu.memref_slice %arg7[%dma_start3A_45, %dma_start3A_46] : memref<80x64xi32, #tpu.memory_space<vmem>> -> memref<80x64xi32, #tpu.memory_space<vmem>>
      %dma_start3A_48 = arith.constant 0 : i32
      %dma_start3A_49 = tpu.memref_slice %arg4[%mul3A_15, %dma_start3A_48] : memref<2560x64xi32, #tpu.memory_space<hbm>> -> memref<80x64xi32, #tpu.memory_space<hbm>>
      %dma_start3A_50 = arith.constant 0 : i32
      %dma_start3A_51 = arith.constant 0 : i32
      %dma_start3A_52 = tpu.memref_slice %arg7[%dma_start3A_50, %dma_start3A_51] : memref<80x64xi32, #tpu.memory_space<vmem>> -> memref<80x64xi32, #tpu.memory_space<vmem>>
      %dma_start3A_53 = arith.constant 0 : i32
      %dma_start3A_54 = tpu.memref_slice %arg4[%mul3A_15, %dma_start3A_53] : memref<2560x64xi32, #tpu.memory_space<hbm>> -> memref<80x64xi32, #tpu.memory_space<hbm>>
      tpu.enqueue_dma source(%dma_start3A_54 : memref<80x64xi32, #tpu.memory_space<hbm>>) target(%dma_start3A_52 : memref<80x64xi32, #tpu.memory_space<vmem>>) target_semaphore(%run_scoped3A : memref<!tpu.dma_semaphore, #tpu.memory_space<semaphore_mem>>)
      %dma_wait3A = arith.constant 0 : i32
      %dma_wait3A_55 = arith.constant 0 : i32
      %dma_wait3A_56 = tpu.memref_slice %arg7[%dma_wait3A, %dma_wait3A_55] : memref<80x64xi32, #tpu.memory_space<vmem>> -> memref<80x64xi32, #tpu.memory_space<vmem>>
      %dma_wait3A_57 = arith.constant 0 : i32
      %dma_wait3A_58 = tpu.memref_slice %arg4[%mul3A_15, %dma_wait3A_57] : memref<2560x64xi32, #tpu.memory_space<hbm>> -> memref<80x64xi32, #tpu.memory_space<hbm>>
      %dma_wait3A_59 = arith.constant 0 : i32
      %dma_wait3A_60 = arith.constant 0 : i32
      %dma_wait3A_61 = tpu.memref_slice %arg7[%dma_wait3A_59, %dma_wait3A_60] : memref<80x64xi32, #tpu.memory_space<vmem>> -> memref<80x64xi32, #tpu.memory_space<vmem>>
      %dma_wait3A_62 = arith.constant 0 : i32
      %dma_wait3A_63 = tpu.memref_slice %arg4[%mul3A_15, %dma_wait3A_62] : memref<2560x64xi32, #tpu.memory_space<hbm>> -> memref<80x64xi32, #tpu.memory_space<hbm>>
      tpu.wait_dma2 semaphore(%run_scoped3A : memref<!tpu.dma_semaphore, #tpu.memory_space<semaphore_mem>>) src(%dma_wait3A_63 : memref<80x64xi32, #tpu.memory_space<hbm>>) dst(%dma_wait3A_61 : memref<80x64xi32, #tpu.memory_space<vmem>>)
      tpu.yield
    }) : () -> ()
    %dma_start3A = arith.constant 0 : i32
    %dma_start3A_26 = tpu.memref_slice %arg6[%dma_start3A] : memref<5120xi32, #tpu.memory_space<vmem>> -> memref<64xi32, #tpu.memory_space<vmem>>
    %dma_start3A_27 = arith.constant 0 : i32
    %dma_start3A_28 = arith.constant 0 : i32
    %dma_start3A_29 = tpu.memref_slice %arg2[%dma_start3A_27, %dma_start3A_28] : memref<10000x128xf32, #tpu.memory_space<hbm>> -> memref<10000x128xf32, #tpu.memory_space<hbm>>
    tpu.enqueue_indirect_dma source(%dma_start3A_29 : memref<10000x128xf32, #tpu.memory_space<hbm>>) target(%arg8 : memref<64x128xf32, #tpu.memory_space<vmem>>) offsets(%dma_start3A_26 : memref<64xi32, #tpu.memory_space<vmem>>) semaphore(%arg11 : memref<!tpu.dma_semaphore, #tpu.memory_space<semaphore_mem>>)
    %scan3A_30 = arith.constant 0 : i32
    %scan3A_31 = arith.constant 0 : i32
    %scan3A_32 = arith.constant 40 : i32
    %scan3A_33 = arith.addi %scan3A_31, %scan3A_32 : i32
    %scan3A_34 = arith.constant 1 : i32
    %scan3A_35 = scf.for %scan3A_45 = %scan3A_31 to %scan3A_33 step %scan3A_34 iter_args(%scan3A_46 = %scan3A_30) -> (i32)  : i32 {
      %mul3A_47 = arith.constant 2 : i32
      %mul3A_48 = arith.muli %mul3A_47, %scan3A_45 : i32
      %add3A_49 = arith.constant 1 : i32
      %add3A_50 = arith.addi %mul3A_48, %add3A_49 : i32
      %mul3A_51 = arith.constant 64 : i32
      %mul3A_52 = arith.muli %add3A_50, %mul3A_51 : i32
      %dma_start3A_53 = tpu.memref_slice %arg6[%mul3A_52] : memref<5120xi32, #tpu.memory_space<vmem>> -> memref<64xi32, #tpu.memory_space<vmem>>
      %dma_start3A_54 = arith.constant 0 : i32
      %dma_start3A_55 = arith.constant 0 : i32
      %dma_start3A_56 = tpu.memref_slice %arg2[%dma_start3A_54, %dma_start3A_55] : memref<10000x128xf32, #tpu.memory_space<hbm>> -> memref<10000x128xf32, #tpu.memory_space<hbm>>
      tpu.enqueue_indirect_dma source(%dma_start3A_56 : memref<10000x128xf32, #tpu.memory_space<hbm>>) target(%arg9 : memref<64x128xf32, #tpu.memory_space<vmem>>) offsets(%dma_start3A_53 : memref<64xi32, #tpu.memory_space<vmem>>) semaphore(%arg12 : memref<!tpu.dma_semaphore, #tpu.memory_space<semaphore_mem>>)
      %mul3A_57 = arith.constant 64 : i32
      %mul3A_58 = arith.muli %mul3A_48, %mul3A_57 : i32
      %dma_wait3A = tpu.memref_slice %arg6[%mul3A_58] : memref<5120xi32, #tpu.memory_space<vmem>> -> memref<64xi32, #tpu.memory_space<vmem>>
      %dma_wait3A_59 = arith.constant 0 : i32
      %dma_wait3A_60 = arith.constant 0 : i32
      %dma_wait3A_61 = tpu.memref_slice %arg2[%dma_wait3A_59, %dma_wait3A_60] : memref<10000x128xf32, #tpu.memory_space<hbm>> -> memref<10000x128xf32, #tpu.memory_space<hbm>>
      tpu.wait_indirect_dma semaphore(%arg11 : memref<!tpu.dma_semaphore, #tpu.memory_space<semaphore_mem>>) src(%dma_wait3A_61 : memref<10000x128xf32, #tpu.memory_space<hbm>>) dst(%arg8 : memref<64x128xf32, #tpu.memory_space<vmem>>)
      "tpu.region"() ({
        %run_scoped3A = tpu.sem_alloc : memref<!tpu.dma_semaphore, #tpu.memory_space<semaphore_mem>>
        %dma_start3A_77 = arith.constant 0 : i32
        %dma_start3A_78 = tpu.memref_slice %arg7[%mul3A_48, %dma_start3A_77] : memref<80x64xi32, #tpu.memory_space<vmem>> -> memref<1x64xi32, #tpu.memory_space<vmem>>
        %dma_start3A_79 = tpu.memref_squeeze %dma_start3A_78 : memref<1x64xi32, #tpu.memory_space<vmem>> -> memref<64xi32, #tpu.memory_space<vmem>>
        %dma_start3A_80 = arith.constant 0 : i32
        %dma_start3A_81 = arith.constant 0 : i32
        %dma_start3A_82 = tpu.memref_slice %arg10[%dma_start3A_80, %dma_start3A_81] : memref<10240x128xf32, #tpu.memory_space<vmem_shared>> -> memref<10240x128xf32, #tpu.memory_space<vmem_shared>>
        tpu.enqueue_indirect_dma source(%arg8 : memref<64x128xf32, #tpu.memory_space<vmem>>) target(%dma_start3A_82 : memref<10240x128xf32, #tpu.memory_space<vmem_shared>>) offsets(%dma_start3A_79 : memref<64xi32, #tpu.memory_space<vmem>>) semaphore(%run_scoped3A : memref<!tpu.dma_semaphore, #tpu.memory_space<semaphore_mem>>) {add = true}
        %dma_wait3A_83 = arith.constant 0 : i32
        %dma_wait3A_84 = tpu.memref_slice %arg7[%mul3A_48, %dma_wait3A_83] : memref<80x64xi32, #tpu.memory_space<vmem>> -> memref<1x64xi32, #tpu.memory_space<vmem>>
        %dma_wait3A_85 = tpu.memref_squeeze %dma_wait3A_84 : memref<1x64xi32, #tpu.memory_space<vmem>> -> memref<64xi32, #tpu.memory_space<vmem>>
        %dma_wait3A_86 = arith.constant 0 : i32
        %dma_wait3A_87 = arith.constant 0 : i32
        %dma_wait3A_88 = tpu.memref_slice %arg10[%dma_wait3A_86, %dma_wait3A_87] : memref<10240x128xf32, #tpu.memory_space<vmem_shared>> -> memref<10240x128xf32, #tpu.memory_space<vmem_shared>>
        tpu.wait_indirect_dma semaphore(%run_scoped3A : memref<!tpu.dma_semaphore, #tpu.memory_space<semaphore_mem>>) src(%arg8 : memref<64x128xf32, #tpu.memory_space<vmem>>) dst(%dma_wait3A_88 : memref<10240x128xf32, #tpu.memory_space<vmem_shared>>)
        tpu.yield
      }) : () -> ()
      %add3A_62 = arith.constant 2 : i32
      %add3A_63 = arith.addi %mul3A_48, %add3A_62 : i32
      %lt3A = arith.constant 80 : i32
      %lt3A_64 = arith.cmpi slt, %add3A_63, %lt3A : i32
      %convert_element_type3A = arith.extui %lt3A_64 : i1 to i32
      %cond3A = arith.constant 0 : i32
      %cond3A_65 = arith.cmpi ne, %convert_element_type3A, %cond3A : i32
      scf.if %cond3A_65 {
        %add3A_77 = arith.constant 2 : i32
        %add3A_78 = arith.addi %mul3A_48, %add3A_77 : i32
        %mul3A_79 = arith.constant 64 : i32
        %mul3A_80 = arith.muli %add3A_78, %mul3A_79 : i32
        %dma_start3A_81 = tpu.memref_slice %arg6[%mul3A_80] : memref<5120xi32, #tpu.memory_space<vmem>> -> memref<64xi32, #tpu.memory_space<vmem>>
        %dma_start3A_82 = arith.constant 0 : i32
        %dma_start3A_83 = arith.constant 0 : i32
        %dma_start3A_84 = tpu.memref_slice %arg2[%dma_start3A_82, %dma_start3A_83] : memref<10000x128xf32, #tpu.memory_space<hbm>> -> memref<10000x128xf32, #tpu.memory_space<hbm>>
        tpu.enqueue_indirect_dma source(%dma_start3A_84 : memref<10000x128xf32, #tpu.memory_space<hbm>>) target(%arg8 : memref<64x128xf32, #tpu.memory_space<vmem>>) offsets(%dma_start3A_81 : memref<64xi32, #tpu.memory_space<vmem>>) semaphore(%arg11 : memref<!tpu.dma_semaphore, #tpu.memory_space<semaphore_mem>>)
      } else {
      }
      %add3A_66 = arith.constant 1 : i32
      %add3A_67 = arith.addi %mul3A_48, %add3A_66 : i32
      %mul3A_68 = arith.constant 64 : i32
      %mul3A_69 = arith.muli %add3A_67, %mul3A_68 : i32
      %dma_wait3A_70 = tpu.memref_slice %arg6[%mul3A_69] : memref<5120xi32, #tpu.memory_space<vmem>> -> memref<64xi32, #tpu.memory_space<vmem>>
      %dma_wait3A_71 = arith.constant 0 : i32
      %dma_wait3A_72 = arith.constant 0 : i32
      %dma_wait3A_73 = tpu.memref_slice %arg2[%dma_wait3A_71, %dma_wait3A_72] : memref<10000x128xf32, #tpu.memory_space<hbm>> -> memref<10000x128xf32, #tpu.memory_space<hbm>>
      tpu.wait_indirect_dma semaphore(%arg12 : memref<!tpu.dma_semaphore, #tpu.memory_space<semaphore_mem>>) src(%dma_wait3A_73 : memref<10000x128xf32, #tpu.memory_space<hbm>>) dst(%arg9 : memref<64x128xf32, #tpu.memory_space<vmem>>)
      %add3A_74 = arith.constant 1 : i32
      %add3A_75 = arith.addi %mul3A_48, %add3A_74 : i32
      "tpu.region"() ({
        %run_scoped3A = tpu.sem_alloc : memref<!tpu.dma_semaphore, #tpu.memory_space<semaphore_mem>>
        %dma_start3A_77 = arith.constant 0 : i32
        %dma_start3A_78 = tpu.memref_slice %arg7[%add3A_75, %dma_start3A_77] : memref<80x64xi32, #tpu.memory_space<vmem>> -> memref<1x64xi32, #tpu.memory_space<vmem>>
        %dma_start3A_79 = tpu.memref_squeeze %dma_start3A_78 : memref<1x64xi32, #tpu.memory_space<vmem>> -> memref<64xi32, #tpu.memory_space<vmem>>
        %dma_start3A_80 = arith.constant 0 : i32
        %dma_start3A_81 = arith.constant 0 : i32
        %dma_start3A_82 = tpu.memref_slice %arg10[%dma_start3A_80, %dma_start3A_81] : memref<10240x128xf32, #tpu.memory_space<vmem_shared>> -> memref<10240x128xf32, #tpu.memory_space<vmem_shared>>
        tpu.enqueue_indirect_dma source(%arg9 : memref<64x128xf32, #tpu.memory_space<vmem>>) target(%dma_start3A_82 : memref<10240x128xf32, #tpu.memory_space<vmem_shared>>) offsets(%dma_start3A_79 : memref<64xi32, #tpu.memory_space<vmem>>) semaphore(%run_scoped3A : memref<!tpu.dma_semaphore, #tpu.memory_space<semaphore_mem>>) {add = true}
        %dma_wait3A_83 = arith.constant 0 : i32
        %dma_wait3A_84 = tpu.memref_slice %arg7[%add3A_75, %dma_wait3A_83] : memref<80x64xi32, #tpu.memory_space<vmem>> -> memref<1x64xi32, #tpu.memory_space<vmem>>
        %dma_wait3A_85 = tpu.memref_squeeze %dma_wait3A_84 : memref<1x64xi32, #tpu.memory_space<vmem>> -> memref<64xi32, #tpu.memory_space<vmem>>
        %dma_wait3A_86 = arith.constant 0 : i32
        %dma_wait3A_87 = arith.constant 0 : i32
        %dma_wait3A_88 = tpu.memref_slice %arg10[%dma_wait3A_86, %dma_wait3A_87] : memref<10240x128xf32, #tpu.memory_space<vmem_shared>> -> memref<10240x128xf32, #tpu.memory_space<vmem_shared>>
        tpu.wait_indirect_dma semaphore(%run_scoped3A : memref<!tpu.dma_semaphore, #tpu.memory_space<semaphore_mem>>) src(%arg9 : memref<64x128xf32, #tpu.memory_space<vmem>>) dst(%dma_wait3A_88 : memref<10240x128xf32, #tpu.memory_space<vmem_shared>>)
        tpu.yield
      }) : () -> ()
      %scan3A_76 = arith.constant 0 : i32
      scf.yield %scan3A_76 : i32
    }
    %scan3A_36 = arith.constant 40 : i32
    %barrier3A_37 = arith.constant 0 : index
    tpu.barrier barrier_id(%barrier3A_37)
    %scan3A_38 = arith.constant 0 : i32
    %scan3A_39 = arith.constant 0 : i32
    %scan3A_40 = arith.constant 10 : i32
    %scan3A_41 = arith.addi %scan3A_39, %scan3A_40 : i32
    %scan3A_42 = arith.constant 1 : i32
    %scan3A_43 = scf.for %scan3A_45 = %scan3A_39 to %scan3A_41 step %scan3A_42 iter_args(%scan3A_46 = %scan3A_38) -> (i32)  : i32 {
      %mul3A_47 = arith.constant 640 : i32
      %mul3A_48 = arith.muli %arg1, %mul3A_47 : i32
      %mul3A_49 = arith.constant 64 : i32
      %mul3A_50 = arith.muli %scan3A_45, %mul3A_49 : i32
      %add3A_51 = arith.addi %mul3A_48, %mul3A_50 : i32
      "tpu.region"() ({
        %run_scoped3A = tpu.sem_alloc : memref<!tpu.dma_semaphore, #tpu.memory_space<semaphore_mem>>
        %dma_start3A_58 = arith.constant 0 : i32
        %dma_start3A_59 = tpu.memref_slice %arg10[%add3A_51, %dma_start3A_58] : memref<10240x128xf32, #tpu.memory_space<vmem_shared>> -> memref<64x128xf32, #tpu.memory_space<vmem_shared>>
        %dma_start3A_60 = arith.constant 0 : i32
        %dma_start3A_61 = tpu.memref_slice %arg10[%add3A_51, %dma_start3A_60] : memref<10240x128xf32, #tpu.memory_space<vmem_shared>> -> memref<64x128xf32, #tpu.memory_space<vmem_shared>>
        tpu.enqueue_dma source(%dma_start3A_61 : memref<64x128xf32, #tpu.memory_space<vmem_shared>>) target(%arg8 : memref<64x128xf32, #tpu.memory_space<vmem>>) target_semaphore(%run_scoped3A : memref<!tpu.dma_semaphore, #tpu.memory_space<semaphore_mem>>)
        %dma_wait3A = arith.constant 0 : i32
        %dma_wait3A_62 = tpu.memref_slice %arg10[%add3A_51, %dma_wait3A] : memref<10240x128xf32, #tpu.memory_space<vmem_shared>> -> memref<64x128xf32, #tpu.memory_space<vmem_shared>>
        %dma_wait3A_63 = arith.constant 0 : i32
        %dma_wait3A_64 = tpu.memref_slice %arg10[%add3A_51, %dma_wait3A_63] : memref<10240x128xf32, #tpu.memory_space<vmem_shared>> -> memref<64x128xf32, #tpu.memory_space<vmem_shared>>
        tpu.wait_dma2 semaphore(%run_scoped3A : memref<!tpu.dma_semaphore, #tpu.memory_space<semaphore_mem>>) src(%dma_wait3A_64 : memref<64x128xf32, #tpu.memory_space<vmem_shared>>) dst(%arg8 : memref<64x128xf32, #tpu.memory_space<vmem>>)
        tpu.yield
      }) : () -> ()
      %mul3A_52 = arith.constant 640 : i32
      %mul3A_53 = arith.muli %arg1, %mul3A_52 : i32
      %mul3A_54 = arith.constant 64 : i32
      %mul3A_55 = arith.muli %scan3A_45, %mul3A_54 : i32
      %add3A_56 = arith.addi %mul3A_53, %mul3A_55 : i32
      "tpu.region"() ({
        %run_scoped3A = tpu.sem_alloc : memref<!tpu.dma_semaphore, #tpu.memory_space<semaphore_mem>>
        %dma_start3A_58 = arith.constant 0 : i32
        %dma_start3A_59 = tpu.memref_slice %arg5[%arg0, %add3A_56, %dma_start3A_58] : memref<2x10240x128xf32, #tpu.memory_space<hbm>> -> memref<1x64x128xf32, #tpu.memory_space<hbm>>
        %dma_start3A_60 = tpu.memref_squeeze %dma_start3A_59 : memref<1x64x128xf32, #tpu.memory_space<hbm>> -> memref<64x128xf32, #tpu.memory_space<hbm>>
        %dma_start3A_61 = arith.constant 0 : i32
        %dma_start3A_62 = tpu.memref_slice %arg5[%arg0, %add3A_56, %dma_start3A_61] : memref<2x10240x128xf32, #tpu.memory_space<hbm>> -> memref<1x64x128xf32, #tpu.memory_space<hbm>>
        %dma_start3A_63 = tpu.memref_squeeze %dma_start3A_62 : memref<1x64x128xf32, #tpu.memory_space<hbm>> -> memref<64x128xf32, #tpu.memory_space<hbm>>
        tpu.enqueue_dma source(%arg8 : memref<64x128xf32, #tpu.memory_space<vmem>>) target(%dma_start3A_63 : memref<64x128xf32, #tpu.memory_space<hbm>>) target_semaphore(%run_scoped3A : memref<!tpu.dma_semaphore, #tpu.memory_space<semaphore_mem>>)
        %dma_wait3A = arith.constant 0 : i32
        %dma_wait3A_64 = tpu.memref_slice %arg5[%arg0, %add3A_56, %dma_wait3A] : memref<2x10240x128xf32, #tpu.memory_space<hbm>> -> memref<1x64x128xf32, #tpu.memory_space<hbm>>
        %dma_wait3A_65 = tpu.memref_squeeze %dma_wait3A_64 : memref<1x64x128xf32, #tpu.memory_space<hbm>> -> memref<64x128xf32, #tpu.memory_space<hbm>>
        %dma_wait3A_66 = arith.constant 0 : i32
        %dma_wait3A_67 = tpu.memref_slice %arg5[%arg0, %add3A_56, %dma_wait3A_66] : memref<2x10240x128xf32, #tpu.memory_space<hbm>> -> memref<1x64x128xf32, #tpu.memory_space<hbm>>
        %dma_wait3A_68 = tpu.memref_squeeze %dma_wait3A_67 : memref<1x64x128xf32, #tpu.memory_space<hbm>> -> memref<64x128xf32, #tpu.memory_space<hbm>>
        tpu.wait_dma2 semaphore(%run_scoped3A : memref<!tpu.dma_semaphore, #tpu.memory_space<semaphore_mem>>) src(%arg8 : memref<64x128xf32, #tpu.memory_space<vmem>>) dst(%dma_wait3A_68 : memref<64x128xf32, #tpu.memory_space<hbm>>)
        tpu.yield
      }) : () -> ()
      %scan3A_57 = arith.constant 0 : i32
      scf.yield %scan3A_57 : i32
    }
    %scan3A_44 = arith.constant 10 : i32
    return
  }
}

#map = affine_map<(d0, d1) -> (0, 0)>
#map1 = affine_map<(d0, d1) -> (0)>
module attributes {stable_mosaic.version = 14 : i64} {
  func.func @_sc_deg(%arg0: i32, %arg1: i32, %arg2: memref<2560x64xi32, #tpu.memory_space<hbm>>, %arg3: memref<20480xf32, #tpu.memory_space<hbm>>, %arg4: memref<80x64xi32, #tpu.memory_space<vmem>>, %arg5: memref<640xf32, #tpu.memory_space<vmem>>, %arg6: memref<64xf32, #tpu.memory_space<vmem>>, %arg7: memref<10240xf32, #tpu.memory_space<vmem_shared>>) attributes {dimension_semantics = [#tpu.dimension_semantics<core_parallel>, #tpu.dimension_semantics<subcore_parallel>], iteration_bounds = array<i64: 2, 16>, scalar_prefetch = 0 : i64, scratch_operands = 4 : i64, tpu.core_type = #tpu.core_type<sc_vector_subcore>, window_params = [{transform_indices = #map}, {transform_indices = #map1}]} {
    %mul3A = arith.constant 16 : i32
    %mul3A_0 = arith.muli %arg0, %mul3A : i32
    %add3A = arith.addi %mul3A_0, %arg1 : i32
    %mul3A_1 = arith.constant 80 : i32
    %mul3A_2 = arith.muli %add3A, %mul3A_1 : i32
    "tpu.region"() ({
      %run_scoped3A = tpu.sem_alloc : memref<!tpu.dma_semaphore, #tpu.memory_space<semaphore_mem>>
      %dma_start3A = arith.constant 0 : i32
      %dma_start3A_33 = tpu.memref_slice %arg2[%mul3A_2, %dma_start3A] : memref<2560x64xi32, #tpu.memory_space<hbm>> -> memref<80x64xi32, #tpu.memory_space<hbm>>
      %dma_start3A_34 = arith.constant 0 : i32
      %dma_start3A_35 = tpu.memref_slice %arg2[%mul3A_2, %dma_start3A_34] : memref<2560x64xi32, #tpu.memory_space<hbm>> -> memref<80x64xi32, #tpu.memory_space<hbm>>
      tpu.enqueue_dma source(%dma_start3A_35 : memref<80x64xi32, #tpu.memory_space<hbm>>) target(%arg4 : memref<80x64xi32, #tpu.memory_space<vmem>>) target_semaphore(%run_scoped3A : memref<!tpu.dma_semaphore, #tpu.memory_space<semaphore_mem>>)
      %dma_wait3A = arith.constant 0 : i32
      %dma_wait3A_36 = tpu.memref_slice %arg2[%mul3A_2, %dma_wait3A] : memref<2560x64xi32, #tpu.memory_space<hbm>> -> memref<80x64xi32, #tpu.memory_space<hbm>>
      %dma_wait3A_37 = arith.constant 0 : i32
      %dma_wait3A_38 = tpu.memref_slice %arg2[%mul3A_2, %dma_wait3A_37] : memref<2560x64xi32, #tpu.memory_space<hbm>> -> memref<80x64xi32, #tpu.memory_space<hbm>>
      tpu.wait_dma2 semaphore(%run_scoped3A : memref<!tpu.dma_semaphore, #tpu.memory_space<semaphore_mem>>) src(%dma_wait3A_38 : memref<80x64xi32, #tpu.memory_space<hbm>>) dst(%arg4 : memref<80x64xi32, #tpu.memory_space<vmem>>)
      tpu.yield
    }) : () -> ()
    %scan3A = arith.constant 0 : i32
    %scan3A_3 = arith.constant 0 : i32
    %scan3A_4 = arith.constant 40 : i32
    %scan3A_5 = arith.addi %scan3A_3, %scan3A_4 : i32
    %scan3A_6 = arith.constant 1 : i32
    %scan3A_7 = scf.for %scan3A_33 = %scan3A_3 to %scan3A_5 step %scan3A_6 iter_args(%scan3A_34 = %scan3A) -> (i32)  : i32 {
      %broadcast_in_dim3A = arith.constant 0.000000e+00 : f32
      %broadcast_in_dim3A_35 = vector.broadcast %broadcast_in_dim3A : f32 to vector<16xf32>
      %mul3A_36 = arith.constant 16 : i32
      %mul3A_37 = arith.muli %scan3A_33, %mul3A_36 : i32
      %swap3A = arith.index_cast %mul3A_37 : i32 to index
      %swap3A_38 = tpu.vector_load %arg5[%swap3A] {strides = array<i32>} : memref<640xf32, #tpu.memory_space<vmem>>, vector<16xf32>,
      %swap3A_39 = vector.shape_cast %swap3A_38 : vector<16xf32> to vector<16xf32>
      %swap3A_40 = vector.shape_cast %broadcast_in_dim3A_35 : vector<16xf32> to vector<16xf32>
      tpu.vector_store %arg5[%swap3A], %swap3A_40 {strides = array<i32>} : memref<640xf32, #tpu.memory_space<vmem>>, vector<16xf32>,
      %scan3A_41 = arith.constant 0 : i32
      scf.yield %scan3A_41 : i32
    }
    %scan3A_8 = arith.constant 40 : i32
    %scan3A_9 = arith.constant 0 : i32
    %scan3A_10 = arith.constant 0 : i32
    %scan3A_11 = arith.constant 4 : i32
    %scan3A_12 = arith.addi %scan3A_10, %scan3A_11 : i32
    %scan3A_13 = arith.constant 1 : i32
    %scan3A_14 = scf.for %scan3A_33 = %scan3A_10 to %scan3A_12 step %scan3A_13 iter_args(%scan3A_34 = %scan3A_9) -> (i32)  : i32 {
      %broadcast_in_dim3A = arith.constant 1.000000e+00 : f32
      %broadcast_in_dim3A_35 = vector.broadcast %broadcast_in_dim3A : f32 to vector<16xf32>
      %mul3A_36 = arith.constant 16 : i32
      %mul3A_37 = arith.muli %scan3A_33, %mul3A_36 : i32
      %swap3A = arith.index_cast %mul3A_37 : i32 to index
      %swap3A_38 = tpu.vector_load %arg6[%swap3A] {strides = array<i32>} : memref<64xf32, #tpu.memory_space<vmem>>, vector<16xf32>,
      %swap3A_39 = vector.shape_cast %swap3A_38 : vector<16xf32> to vector<16xf32>
      %swap3A_40 = vector.shape_cast %broadcast_in_dim3A_35 : vector<16xf32> to vector<16xf32>
      tpu.vector_store %arg6[%swap3A], %swap3A_40 {strides = array<i32>} : memref<64xf32, #tpu.memory_space<vmem>>, vector<16xf32>,
      %scan3A_41 = arith.constant 0 : i32
      scf.yield %scan3A_41 : i32
    }
    %scan3A_15 = arith.constant 4 : i32
    %mul3A_16 = arith.constant 640 : i32
    %mul3A_17 = arith.muli %arg1, %mul3A_16 : i32
    "tpu.region"() ({
      %run_scoped3A = tpu.sem_alloc : memref<!tpu.dma_semaphore, #tpu.memory_space<semaphore_mem>>
      %dma_start3A = tpu.memref_slice %arg7[%mul3A_17] : memref<10240xf32, #tpu.memory_space<vmem_shared>> -> memref<640xf32, #tpu.memory_space<vmem_shared>>
      %dma_start3A_33 = tpu.memref_slice %arg7[%mul3A_17] : memref<10240xf32, #tpu.memory_space<vmem_shared>> -> memref<640xf32, #tpu.memory_space<vmem_shared>>
      tpu.enqueue_dma source(%arg5 : memref<640xf32, #tpu.memory_space<vmem>>) target(%dma_start3A_33 : memref<640xf32, #tpu.memory_space<vmem_shared>>) target_semaphore(%run_scoped3A : memref<!tpu.dma_semaphore, #tpu.memory_space<semaphore_mem>>)
      %dma_wait3A = tpu.memref_slice %arg7[%mul3A_17] : memref<10240xf32, #tpu.memory_space<vmem_shared>> -> memref<640xf32, #tpu.memory_space<vmem_shared>>
      %dma_wait3A_34 = tpu.memref_slice %arg7[%mul3A_17] : memref<10240xf32, #tpu.memory_space<vmem_shared>> -> memref<640xf32, #tpu.memory_space<vmem_shared>>
      tpu.wait_dma2 semaphore(%run_scoped3A : memref<!tpu.dma_semaphore, #tpu.memory_space<semaphore_mem>>) src(%arg5 : memref<640xf32, #tpu.memory_space<vmem>>) dst(%dma_wait3A_34 : memref<640xf32, #tpu.memory_space<vmem_shared>>)
      tpu.yield
    }) : () -> ()
    %barrier3A = arith.constant 0 : index
    tpu.barrier barrier_id(%barrier3A)
    %scan3A_18 = arith.constant 0 : i32
    %scan3A_19 = arith.constant 0 : i32
    %scan3A_20 = arith.constant 80 : i32
    %scan3A_21 = arith.addi %scan3A_19, %scan3A_20 : i32
    %scan3A_22 = arith.constant 1 : i32
    %scan3A_23 = scf.for %scan3A_33 = %scan3A_19 to %scan3A_21 step %scan3A_22 iter_args(%scan3A_34 = %scan3A_18) -> (i32)  : i32 {
      "tpu.region"() ({
        %run_scoped3A = tpu.sem_alloc : memref<!tpu.dma_semaphore, #tpu.memory_space<semaphore_mem>>
        %dma_start3A = arith.constant 0 : i32
        %dma_start3A_36 = tpu.memref_slice %arg4[%scan3A_33, %dma_start3A] : memref<80x64xi32, #tpu.memory_space<vmem>> -> memref<1x64xi32, #tpu.memory_space<vmem>>
        %dma_start3A_37 = tpu.memref_squeeze %dma_start3A_36 : memref<1x64xi32, #tpu.memory_space<vmem>> -> memref<64xi32, #tpu.memory_space<vmem>>
        %dma_start3A_38 = arith.constant 0 : i32
        %dma_start3A_39 = tpu.memref_slice %arg7[%dma_start3A_38] : memref<10240xf32, #tpu.memory_space<vmem_shared>> -> memref<10240xf32, #tpu.memory_space<vmem_shared>>
        tpu.enqueue_indirect_dma source(%arg6 : memref<64xf32, #tpu.memory_space<vmem>>) target(%dma_start3A_39 : memref<10240xf32, #tpu.memory_space<vmem_shared>>) offsets(%dma_start3A_37 : memref<64xi32, #tpu.memory_space<vmem>>) semaphore(%run_scoped3A : memref<!tpu.dma_semaphore, #tpu.memory_space<semaphore_mem>>) {add = true}
        %dma_wait3A = arith.constant 0 : i32
        %dma_wait3A_40 = tpu.memref_slice %arg4[%scan3A_33, %dma_wait3A] : memref<80x64xi32, #tpu.memory_space<vmem>> -> memref<1x64xi32, #tpu.memory_space<vmem>>
        %dma_wait3A_41 = tpu.memref_squeeze %dma_wait3A_40 : memref<1x64xi32, #tpu.memory_space<vmem>> -> memref<64xi32, #tpu.memory_space<vmem>>
        %dma_wait3A_42 = arith.constant 0 : i32
        %dma_wait3A_43 = tpu.memref_slice %arg7[%dma_wait3A_42] : memref<10240xf32, #tpu.memory_space<vmem_shared>> -> memref<10240xf32, #tpu.memory_space<vmem_shared>>
        tpu.wait_indirect_dma semaphore(%run_scoped3A : memref<!tpu.dma_semaphore, #tpu.memory_space<semaphore_mem>>) src(%arg6 : memref<64xf32, #tpu.memory_space<vmem>>) dst(%dma_wait3A_43 : memref<10240xf32, #tpu.memory_space<vmem_shared>>)
        tpu.yield
      }) : () -> ()
      %scan3A_35 = arith.constant 0 : i32
      scf.yield %scan3A_35 : i32
    }
    %scan3A_24 = arith.constant 80 : i32
    %barrier3A_25 = arith.constant 0 : index
    tpu.barrier barrier_id(%barrier3A_25)
    %mul3A_26 = arith.constant 640 : i32
    %mul3A_27 = arith.muli %arg1, %mul3A_26 : i32
    "tpu.region"() ({
      %run_scoped3A = tpu.sem_alloc : memref<!tpu.dma_semaphore, #tpu.memory_space<semaphore_mem>>
      %dma_start3A = tpu.memref_slice %arg7[%mul3A_27] : memref<10240xf32, #tpu.memory_space<vmem_shared>> -> memref<640xf32, #tpu.memory_space<vmem_shared>>
      %dma_start3A_33 = tpu.memref_slice %arg7[%mul3A_27] : memref<10240xf32, #tpu.memory_space<vmem_shared>> -> memref<640xf32, #tpu.memory_space<vmem_shared>>
      tpu.enqueue_dma source(%dma_start3A_33 : memref<640xf32, #tpu.memory_space<vmem_shared>>) target(%arg5 : memref<640xf32, #tpu.memory_space<vmem>>) target_semaphore(%run_scoped3A : memref<!tpu.dma_semaphore, #tpu.memory_space<semaphore_mem>>)
      %dma_wait3A = tpu.memref_slice %arg7[%mul3A_27] : memref<10240xf32, #tpu.memory_space<vmem_shared>> -> memref<640xf32, #tpu.memory_space<vmem_shared>>
      %dma_wait3A_34 = tpu.memref_slice %arg7[%mul3A_27] : memref<10240xf32, #tpu.memory_space<vmem_shared>> -> memref<640xf32, #tpu.memory_space<vmem_shared>>
      tpu.wait_dma2 semaphore(%run_scoped3A : memref<!tpu.dma_semaphore, #tpu.memory_space<semaphore_mem>>) src(%dma_wait3A_34 : memref<640xf32, #tpu.memory_space<vmem_shared>>) dst(%arg5 : memref<640xf32, #tpu.memory_space<vmem>>)
      tpu.yield
    }) : () -> ()
    %mul3A_28 = arith.constant 10240 : i32
    %mul3A_29 = arith.muli %arg0, %mul3A_28 : i32
    %mul3A_30 = arith.constant 640 : i32
    %mul3A_31 = arith.muli %arg1, %mul3A_30 : i32
    %add3A_32 = arith.addi %mul3A_29, %mul3A_31 : i32
    "tpu.region"() ({
      %run_scoped3A = tpu.sem_alloc : memref<!tpu.dma_semaphore, #tpu.memory_space<semaphore_mem>>
      %dma_start3A = tpu.memref_slice %arg3[%add3A_32] : memref<20480xf32, #tpu.memory_space<hbm>> -> memref<640xf32, #tpu.memory_space<hbm>>
      %dma_start3A_33 = tpu.memref_slice %arg3[%add3A_32] : memref<20480xf32, #tpu.memory_space<hbm>> -> memref<640xf32, #tpu.memory_space<hbm>>
      tpu.enqueue_dma source(%arg5 : memref<640xf32, #tpu.memory_space<vmem>>) target(%dma_start3A_33 : memref<640xf32, #tpu.memory_space<hbm>>) target_semaphore(%run_scoped3A : memref<!tpu.dma_semaphore, #tpu.memory_space<semaphore_mem>>)
      %dma_wait3A = tpu.memref_slice %arg3[%add3A_32] : memref<20480xf32, #tpu.memory_space<hbm>> -> memref<640xf32, #tpu.memory_space<hbm>>
      %dma_wait3A_34 = tpu.memref_slice %arg3[%add3A_32] : memref<20480xf32, #tpu.memory_space<hbm>> -> memref<640xf32, #tpu.memory_space<hbm>>
      tpu.wait_dma2 semaphore(%run_scoped3A : memref<!tpu.dma_semaphore, #tpu.memory_space<semaphore_mem>>) src(%arg5 : memref<640xf32, #tpu.memory_space<vmem>>) dst(%dma_wait3A_34 : memref<640xf32, #tpu.memory_space<hbm>>)
      tpu.yield
    }) : () -> ()
    return
  }
}

module attributes {stable_mosaic.version = 14 : i64} {
  func.func @_tc_a_body(%arg0: i32, %arg1: i32, %arg2: memref<1000x2xf32, #tpu.memory_space<vmem>>, %arg3: memref<1000x256xf32, #tpu.memory_space<vmem>>, %arg4: memref<256x128xf32, #tpu.memory_space<vmem>>, %arg5: memref<1x1000x128xf32, #tpu.memory_space<vmem>>) attributes {dimension_semantics = [#tpu.dimension_semantics<arbitrary>, #tpu.dimension_semantics<arbitrary>], iteration_bounds = array<i64: 2, 10>, scalar_prefetch = 0 : i64, scratch_operands = 0 : i64, tpu.core_type = #tpu.core_type<tc>, window_params = [{transform_indices = @transform_0, window_bounds = array<i64: 1000, 2>}, {transform_indices = @transform_1, window_bounds = array<i64: 1000, 256>}, {transform_indices = @transform_2, window_bounds = array<i64: 256, 128>}, {transform_indices = @transform_3, window_bounds = array<i64: 1, 1000, 128>}]} {
    %get3A = arith.constant 0 : index
    %get3A_0 = arith.constant 0 : index
    %get3A_1 = vector.load %arg2[%get3A, %get3A_0] : memref<1000x2xf32, #tpu.memory_space<vmem>>, vector<1000x2xf32>
    %slice3A = vector.extract_strided_slice %get3A_1 {offsets = [0, 0], sizes = [1000, 1], strides = [1, 1]} : vector<1000x2xf32> to vector<1000x1xf32>
    %squeeze3A = vector.shape_cast %slice3A : vector<1000x1xf32> to vector<1000xf32>
    %slice3A_2 = vector.extract_strided_slice %get3A_1 {offsets = [0, 1], sizes = [1000, 1], strides = [1, 1]} : vector<1000x2xf32> to vector<1000x1xf32>
    %squeeze3A_3 = vector.shape_cast %slice3A_2 : vector<1000x1xf32> to vector<1000xf32>
    %add3A = arith.addf %squeeze3A, %squeeze3A_3 : vector<1000xf32>
    %add3A_4 = arith.constant 1.000000e+00 : f32
    %add3A_5 = vector.broadcast %add3A_4 : f32 to vector<1000xf32>
    %add3A_6 = arith.addf %add3A, %add3A_5 : vector<1000xf32>
    %rsqrt3A = math.rsqrt %add3A_6 : vector<1000xf32>
    %get3A_7 = arith.constant 0 : index
    %get3A_8 = arith.constant 0 : index
    %get3A_9 = vector.load %arg3[%get3A_7, %get3A_8] : memref<1000x256xf32, #tpu.memory_space<vmem>>, vector<1000x256xf32>
    %get3A_10 = arith.constant 0 : index
    %get3A_11 = arith.constant 0 : index
    %get3A_12 = vector.load %arg4[%get3A_10, %get3A_11] : memref<256x128xf32, #tpu.memory_space<vmem>>, vector<256x128xf32>
    %dot_general3A = arith.constant dense<0.000000e+00> : vector<1000x128xf32>
    %dot_general3A_13 = tpu.matmul %get3A_9, %get3A_12, %dot_general3A {dimension_numbers = #tpu.dot_dimension_numbers<[1], [0], [0], [1], [0, 0, 1, 1], [], []>, transpose_lhs_hint = false} : vector<1000x256xf32>, vector<256x128xf32>, vector<1000x128xf32> -> vector<1000x128xf32>
    %broadcast_in_dim3A = vector.shape_cast %rsqrt3A : vector<1000xf32> to vector<1000x1xf32>
    %mul3A = vector.broadcast %broadcast_in_dim3A : vector<1000x1xf32> to vector<1000x128xf32>
    %mul3A_14 = arith.mulf %dot_general3A_13, %mul3A : vector<1000x128xf32>
    %broadcast_in_dim3A_15 = vector.shape_cast %mul3A_14 : vector<1000x128xf32> to vector<1x1000x128xf32>
    %swap3A = arith.constant 0 : index
    %swap3A_16 = arith.constant 0 : index
    %swap3A_17 = arith.constant 0 : index
    %swap3A_18 = vector.load %arg5[%swap3A, %swap3A_16, %swap3A_17] : memref<1x1000x128xf32, #tpu.memory_space<vmem>>, vector<1x1000x128xf32>
    tpu.vector_store %arg5[%swap3A, %swap3A_16, %swap3A_17], %broadcast_in_dim3A_15 {strides = array<i32>} : memref<1x1000x128xf32, #tpu.memory_space<vmem>>, vector<1x1000x128xf32>,
    return
  }
  func.func @transform_0(%arg0: i32, %arg1: i32) -> (i32, i32) {
    %c0_i32 = arith.constant 0 : i32
    %c0_i32_0 = arith.constant 0 : i32
    return %arg1, %c0_i32 : i32, i32
  }
  func.func @transform_1(%arg0: i32, %arg1: i32) -> (i32, i32) {
    %c0_i32 = arith.constant 0 : i32
    %c0_i32_0 = arith.constant 0 : i32
    return %arg1, %c0_i32 : i32, i32
  }
  func.func @transform_2(%arg0: i32, %arg1: i32) -> (i32, i32) {
    %c0_i32 = arith.constant 0 : i32
    %c0_i32_0 = arith.constant 0 : i32
    return %c0_i32, %arg0 : i32, i32
  }
  func.func @transform_3(%arg0: i32, %arg1: i32) -> (i32, i32, i32) {
    %c0_i32 = arith.constant 0 : i32
    %c0_i32_0 = arith.constant 0 : i32
    return %arg0, %arg1, %c0_i32 : i32, i32, i32
  }
}

module attributes {stable_mosaic.version = 14 : i64} {
  func.func @_tc_b_body(%arg0: i32, %arg1: memref<1000x2xf32, #tpu.memory_space<vmem>>, %arg2: memref<1x1000x128xf32, #tpu.memory_space<vmem>>, %arg3: memref<1x1000x128xf32, #tpu.memory_space<vmem>>, %arg4: memref<1x1000x128xf32, #tpu.memory_space<vmem>>, %arg5: memref<1x1000x128xf32, #tpu.memory_space<vmem>>, %arg6: memref<256x128xf32, #tpu.memory_space<vmem>>, %arg7: memref<1x256xf32, #tpu.memory_space<vmem>>, %arg8: memref<1000x128xf32, #tpu.memory_space<vmem>>) attributes {dimension_semantics = [#tpu.dimension_semantics<arbitrary>], iteration_bounds = array<i64: 10>, scalar_prefetch = 0 : i64, scratch_operands = 0 : i64, tpu.core_type = #tpu.core_type<tc>, window_params = [{transform_indices = @transform_0, window_bounds = array<i64: 1000, 2>}, {transform_indices = @transform_1, window_bounds = array<i64: 1, 1000, 128>}, {transform_indices = @transform_2, window_bounds = array<i64: 1, 1000, 128>}, {transform_indices = @transform_3, window_bounds = array<i64: 1, 1000, 128>}, {transform_indices = @transform_4, window_bounds = array<i64: 1, 1000, 128>}, {pipeline_mode = #tpu.pipeline_mode<synchronous>, transform_indices = @transform_5, window_bounds = array<i64: 256, 128>}, {pipeline_mode = #tpu.pipeline_mode<synchronous>, transform_indices = @transform_6, window_bounds = array<i64: 1, 256>}, {transform_indices = @transform_7, window_bounds = array<i64: 1000, 128>}]} {
    %get3A = arith.constant 0 : index
    %get3A_0 = arith.constant 0 : index
    %get3A_1 = vector.load %arg1[%get3A, %get3A_0] : memref<1000x2xf32, #tpu.memory_space<vmem>>, vector<1000x2xf32>
    %slice3A = vector.extract_strided_slice %get3A_1 {offsets = [0, 0], sizes = [1000, 1], strides = [1, 1]} : vector<1000x2xf32> to vector<1000x1xf32>
    %squeeze3A = vector.shape_cast %slice3A : vector<1000x1xf32> to vector<1000xf32>
    %slice3A_2 = vector.extract_strided_slice %get3A_1 {offsets = [0, 1], sizes = [1000, 1], strides = [1, 1]} : vector<1000x2xf32> to vector<1000x1xf32>
    %squeeze3A_3 = vector.shape_cast %slice3A_2 : vector<1000x1xf32> to vector<1000xf32>
    %add3A = arith.addf %squeeze3A, %squeeze3A_3 : vector<1000xf32>
    %add3A_4 = arith.constant 1.000000e+00 : f32
    %add3A_5 = vector.broadcast %add3A_4 : f32 to vector<1000xf32>
    %add3A_6 = arith.addf %add3A, %add3A_5 : vector<1000xf32>
    %rsqrt3A = math.rsqrt %add3A_6 : vector<1000xf32>
    %broadcast_in_dim3A = vector.shape_cast %rsqrt3A : vector<1000xf32> to vector<1000x1xf32>
    %get3A_7 = arith.constant 0 : index
    %get3A_8 = arith.constant 0 : index
    %get3A_9 = arith.constant 0 : index
    %get3A_10 = vector.load %arg2[%get3A_7, %get3A_8, %get3A_9] : memref<1x1000x128xf32, #tpu.memory_space<vmem>>, vector<1x1000x128xf32>
    %get3A_11 = vector.shape_cast %get3A_10 : vector<1x1000x128xf32> to vector<1000x128xf32>
    %get3A_12 = arith.constant 0 : index
    %get3A_13 = arith.constant 0 : index
    %get3A_14 = arith.constant 0 : index
    %get3A_15 = vector.load %arg4[%get3A_12, %get3A_13, %get3A_14] : memref<1x1000x128xf32, #tpu.memory_space<vmem>>, vector<1x1000x128xf32>
    %get3A_16 = vector.shape_cast %get3A_15 : vector<1x1000x128xf32> to vector<1000x128xf32>
    %add3A_17 = arith.addf %get3A_11, %get3A_16 : vector<1000x128xf32>
    %mul3A = vector.broadcast %broadcast_in_dim3A : vector<1000x1xf32> to vector<1000x128xf32>
    %mul3A_18 = arith.mulf %mul3A, %add3A_17 : vector<1000x128xf32>
    %get3A_19 = arith.constant 0 : index
    %get3A_20 = arith.constant 0 : index
    %get3A_21 = arith.constant 0 : index
    %get3A_22 = vector.load %arg3[%get3A_19, %get3A_20, %get3A_21] : memref<1x1000x128xf32, #tpu.memory_space<vmem>>, vector<1x1000x128xf32>
    %get3A_23 = vector.shape_cast %get3A_22 : vector<1x1000x128xf32> to vector<1000x128xf32>
    %get3A_24 = arith.constant 0 : index
    %get3A_25 = arith.constant 0 : index
    %get3A_26 = arith.constant 0 : index
    %get3A_27 = vector.load %arg5[%get3A_24, %get3A_25, %get3A_26] : memref<1x1000x128xf32, #tpu.memory_space<vmem>>, vector<1x1000x128xf32>
    %get3A_28 = vector.shape_cast %get3A_27 : vector<1x1000x128xf32> to vector<1000x128xf32>
    %add3A_29 = arith.addf %get3A_23, %get3A_28 : vector<1000x128xf32>
    %mul3A_30 = vector.broadcast %broadcast_in_dim3A : vector<1000x1xf32> to vector<1000x128xf32>
    %mul3A_31 = arith.mulf %mul3A_30, %add3A_29 : vector<1000x128xf32>
    %concatenate3A = tpu.concatenate %mul3A_18, %mul3A_31 in 1 : vector<1000x128xf32>, vector<1000x128xf32> -> vector<1000x256xf32>
    %get3A_32 = arith.constant 0 : index
    %get3A_33 = arith.constant 0 : index
    %get3A_34 = vector.load %arg7[%get3A_32, %get3A_33] : memref<1x256xf32, #tpu.memory_space<vmem>>, vector<1x256xf32>
    %add3A_35 = vector.broadcast %get3A_34 : vector<1x256xf32> to vector<1000x256xf32>
    %add3A_36 = arith.addf %concatenate3A, %add3A_35 : vector<1000x256xf32>
    %max3A = arith.constant 0.000000e+00 : f32
    %max3A_37 = vector.broadcast %max3A : f32 to vector<1000x256xf32>
    %max3A_38 = arith.maximumf %add3A_36, %max3A_37 : vector<1000x256xf32>
    %get3A_39 = arith.constant 0 : index
    %get3A_40 = arith.constant 0 : index
    %get3A_41 = vector.load %arg6[%get3A_39, %get3A_40] : memref<256x128xf32, #tpu.memory_space<vmem>>, vector<256x128xf32>
    %dot_general3A = arith.constant dense<0.000000e+00> : vector<1000x128xf32>
    %dot_general3A_42 = tpu.matmul %max3A_38, %get3A_41, %dot_general3A {dimension_numbers = #tpu.dot_dimension_numbers<[1], [0], [0], [1], [0, 0, 1, 1], [], []>, transpose_lhs_hint = false} : vector<1000x256xf32>, vector<256x128xf32>, vector<1000x128xf32> -> vector<1000x128xf32>
    %mul3A_43 = vector.broadcast %broadcast_in_dim3A : vector<1000x1xf32> to vector<1000x128xf32>
    %mul3A_44 = arith.mulf %dot_general3A_42, %mul3A_43 : vector<1000x128xf32>
    %swap3A = arith.constant 0 : index
    %swap3A_45 = arith.constant 0 : index
    %swap3A_46 = vector.load %arg8[%swap3A, %swap3A_45] : memref<1000x128xf32, #tpu.memory_space<vmem>>, vector<1000x128xf32>
    tpu.vector_store %arg8[%swap3A, %swap3A_45], %mul3A_44 {strides = array<i32>} : memref<1000x128xf32, #tpu.memory_space<vmem>>, vector<1000x128xf32>,
    return
  }
  func.func @transform_0(%arg0: i32) -> (i32, i32) {
    %c0_i32 = arith.constant 0 : i32
    %c0_i32_0 = arith.constant 0 : i32
    return %arg0, %c0_i32 : i32, i32
  }
  func.func @transform_1(%arg0: i32) -> (i32, i32, i32) {
    %c0_i32 = arith.constant 0 : i32
    %c0_i32_0 = arith.constant 0 : i32
    %c0_i32_1 = arith.constant 0 : i32
    return %c0_i32, %arg0, %c0_i32_0 : i32, i32, i32
  }
  func.func @transform_2(%arg0: i32) -> (i32, i32, i32) {
    %c1_i32 = arith.constant 1 : i32
    %c0_i32 = arith.constant 0 : i32
    %c0_i32_0 = arith.constant 0 : i32
    return %c1_i32, %arg0, %c0_i32 : i32, i32, i32
  }
  func.func @transform_3(%arg0: i32) -> (i32, i32, i32) {
    %c0_i32 = arith.constant 0 : i32
    %c0_i32_0 = arith.constant 0 : i32
    %c0_i32_1 = arith.constant 0 : i32
    return %c0_i32, %arg0, %c0_i32_0 : i32, i32, i32
  }
  func.func @transform_4(%arg0: i32) -> (i32, i32, i32) {
    %c1_i32 = arith.constant 1 : i32
    %c0_i32 = arith.constant 0 : i32
    %c0_i32_0 = arith.constant 0 : i32
    return %c1_i32, %arg0, %c0_i32 : i32, i32, i32
  }
  func.func @transform_5(%arg0: i32) -> (i32, i32) {
    %c0_i32 = arith.constant 0 : i32
    %c0_i32_0 = arith.constant 0 : i32
    %c0_i32_1 = arith.constant 0 : i32
    return %c0_i32, %c0_i32_0 : i32, i32
  }
  func.func @transform_6(%arg0: i32) -> (i32, i32) {
    %c0_i32 = arith.constant 0 : i32
    %c0_i32_0 = arith.constant 0 : i32
    %c0_i32_1 = arith.constant 0 : i32
    return %c0_i32, %c0_i32_0 : i32, i32
  }
  func.func @transform_7(%arg0: i32) -> (i32, i32) {
    %c0_i32 = arith.constant 0 : i32
    %c0_i32_0 = arith.constant 0 : i32
    return %arg0, %c0_i32 : i32, i32
  }
}

module attributes {stable_mosaic.version = 14 : i64} {
  func.func @_tc_c_body(%arg0: i32, %arg1: memref<1000x2xf32, #tpu.memory_space<vmem>>, %arg2: memref<1x1000x128xf32, #tpu.memory_space<vmem>>, %arg3: memref<1x1000x128xf32, #tpu.memory_space<vmem>>, %arg4: memref<1000x128xf32, #tpu.memory_space<vmem>>, %arg5: memref<1x40xf32, #tpu.memory_space<vmem>>, %arg6: memref<1000x40xf32, #tpu.memory_space<vmem>>) attributes {dimension_semantics = [#tpu.dimension_semantics<arbitrary>], iteration_bounds = array<i64: 10>, scalar_prefetch = 0 : i64, scratch_operands = 0 : i64, tpu.core_type = #tpu.core_type<tc>, window_params = [{transform_indices = @transform_0, window_bounds = array<i64: 1000, 2>}, {transform_indices = @transform_1, window_bounds = array<i64: 1, 1000, 128>}, {transform_indices = @transform_2, window_bounds = array<i64: 1, 1000, 128>}, {transform_indices = @transform_3, window_bounds = array<i64: 1000, 128>}, {pipeline_mode = #tpu.pipeline_mode<synchronous>, transform_indices = @transform_4, window_bounds = array<i64: 1, 40>}, {transform_indices = @transform_5, window_bounds = array<i64: 1000, 40>}]} {
    %get3A = arith.constant 0 : index
    %get3A_0 = arith.constant 0 : index
    %get3A_1 = vector.load %arg1[%get3A, %get3A_0] : memref<1000x2xf32, #tpu.memory_space<vmem>>, vector<1000x2xf32>
    %slice3A = vector.extract_strided_slice %get3A_1 {offsets = [0, 0], sizes = [1000, 1], strides = [1, 1]} : vector<1000x2xf32> to vector<1000x1xf32>
    %squeeze3A = vector.shape_cast %slice3A : vector<1000x1xf32> to vector<1000xf32>
    %slice3A_2 = vector.extract_strided_slice %get3A_1 {offsets = [0, 1], sizes = [1000, 1], strides = [1, 1]} : vector<1000x2xf32> to vector<1000x1xf32>
    %squeeze3A_3 = vector.shape_cast %slice3A_2 : vector<1000x1xf32> to vector<1000xf32>
    %add3A = arith.addf %squeeze3A, %squeeze3A_3 : vector<1000xf32>
    %add3A_4 = arith.constant 1.000000e+00 : f32
    %add3A_5 = vector.broadcast %add3A_4 : f32 to vector<1000xf32>
    %add3A_6 = arith.addf %add3A, %add3A_5 : vector<1000xf32>
    %rsqrt3A = math.rsqrt %add3A_6 : vector<1000xf32>
    %broadcast_in_dim3A = vector.shape_cast %rsqrt3A : vector<1000xf32> to vector<1000x1xf32>
    %get3A_7 = arith.constant 0 : index
    %get3A_8 = arith.constant 0 : index
    %get3A_9 = arith.constant 0 : index
    %get3A_10 = vector.load %arg2[%get3A_7, %get3A_8, %get3A_9] : memref<1x1000x128xf32, #tpu.memory_space<vmem>>, vector<1x1000x128xf32>
    %get3A_11 = vector.shape_cast %get3A_10 : vector<1x1000x128xf32> to vector<1000x128xf32>
    %get3A_12 = arith.constant 0 : index
    %get3A_13 = arith.constant 0 : index
    %get3A_14 = arith.constant 0 : index
    %get3A_15 = vector.load %arg3[%get3A_12, %get3A_13, %get3A_14] : memref<1x1000x128xf32, #tpu.memory_space<vmem>>, vector<1x1000x128xf32>
    %get3A_16 = vector.shape_cast %get3A_15 : vector<1x1000x128xf32> to vector<1000x128xf32>
    %add3A_17 = arith.addf %get3A_11, %get3A_16 : vector<1000x128xf32>
    %get3A_18 = arith.constant 0 : index
    %get3A_19 = arith.constant 0 : index
    %get3A_20 = vector.load %arg4[%get3A_18, %get3A_19] : memref<1000x128xf32, #tpu.memory_space<vmem>>, vector<1000x128xf32>
    %add3A_21 = arith.addf %add3A_17, %get3A_20 : vector<1000x128xf32>
    %mul3A = vector.broadcast %broadcast_in_dim3A : vector<1000x1xf32> to vector<1000x128xf32>
    %mul3A_22 = arith.mulf %mul3A, %add3A_21 : vector<1000x128xf32>
    %slice3A_23 = vector.extract_strided_slice %mul3A_22 {offsets = [0, 0], sizes = [1000, 40], strides = [1, 1]} : vector<1000x128xf32> to vector<1000x40xf32>
    %get3A_24 = arith.constant 0 : index
    %get3A_25 = arith.constant 0 : index
    %get3A_26 = vector.load %arg5[%get3A_24, %get3A_25] : memref<1x40xf32, #tpu.memory_space<vmem>>, vector<1x40xf32>
    %add3A_27 = vector.broadcast %get3A_26 : vector<1x40xf32> to vector<1000x40xf32>
    %add3A_28 = arith.addf %slice3A_23, %add3A_27 : vector<1000x40xf32>
    %swap3A = arith.constant 0 : index
    %swap3A_29 = arith.constant 0 : index
    %swap3A_30 = vector.load %arg6[%swap3A, %swap3A_29] : memref<1000x40xf32, #tpu.memory_space<vmem>>, vector<1000x40xf32>
    tpu.vector_store %arg6[%swap3A, %swap3A_29], %add3A_28 {strides = array<i32>} : memref<1000x40xf32, #tpu.memory_space<vmem>>, vector<1000x40xf32>,
    return
  }
  func.func @transform_0(%arg0: i32) -> (i32, i32) {
    %c0_i32 = arith.constant 0 : i32
    %c0_i32_0 = arith.constant 0 : i32
    return %arg0, %c0_i32 : i32, i32
  }
  func.func @transform_1(%arg0: i32) -> (i32, i32, i32) {
    %c0_i32 = arith.constant 0 : i32
    %c0_i32_0 = arith.constant 0 : i32
    %c0_i32_1 = arith.constant 0 : i32
    return %c0_i32, %arg0, %c0_i32_0 : i32, i32, i32
  }
  func.func @transform_2(%arg0: i32) -> (i32, i32, i32) {
    %c1_i32 = arith.constant 1 : i32
    %c0_i32 = arith.constant 0 : i32
    %c0_i32_0 = arith.constant 0 : i32
    return %c1_i32, %arg0, %c0_i32 : i32, i32, i32
  }
  func.func @transform_3(%arg0: i32) -> (i32, i32) {
    %c0_i32 = arith.constant 0 : i32
    %c0_i32_0 = arith.constant 0 : i32
    return %arg0, %c0_i32 : i32, i32
  }
  func.func @transform_4(%arg0: i32) -> (i32, i32) {
    %c0_i32 = arith.constant 0 : i32
    %c0_i32_0 = arith.constant 0 : i32
    %c0_i32_1 = arith.constant 0 : i32
    return %c0_i32, %c0_i32_0 : i32, i32
  }
  func.func @transform_5(%arg0: i32) -> (i32, i32) {
    %c0_i32 = arith.constant 0 : i32
    %c0_i32_0 = arith.constant 0 : i32
    return %arg0, %c0_i32 : i32, i32
  }
}

</mosaic_0001>

<sc_bundles>
// kernel: kernel.11.cloned.1.call-start
scs
__scs_entry_jumppad:
0x0: {  	(pc) =	sbr.rel $0x88, $3  }
0x1: {  	(tag) =	ssettag $0x0;
	lr =	simm.s32 $0x1  }
0x2: {  	[smem:$0x3F9B] =	sst lr;
	_ =	strace $0xD0000000  }
0x3: {  	_ = 	snop  }
0x4: {  	_ = 	snop  }
0x5: {  	_ = 	snop  }
0x6: {  	_ = 	snop  }
0x7: {  	_ = 	snop  }
__scs_overlays_trampoline_lowered:
0x8: {  	[smem:$0x3FAA] =	sst s0  }
0x9: {  	[smem:$0x3FAB] =	sst s1  }
0xa: {  	[smem:$0x3FAC] =	sst s2  }
0xb: {  	[smem:$0x3FAD] =	sst s3  }
0xc: {  	[smem:$0x3FAE] =	sst s4  }
0xd: {  	[smem:$0x3FAF] =	sst s5  }
0xe: {  	[smem:$0x3FB0] =	sst s6  }
0xf: {  	[smem:$0x3FB1] =	sst s7  }
0x10: {  	[smem:$0x3FB2] =	sst s8  }
0x11: {  	[smem:$0x3FB3] =	sst s9;
	s0 =	simm.s32 @!p0 $0x0  }
0x12: {  	s1 =	sld [smem:$0x3F99];
	s0 =	simm.s32 @p0 $0x1  }
0x13: {  	[smem:$0x3FB4] =	sst s0;
	s0 =	simm.s32 @!p1 $0x0  }
0x14: {  	s2 =	sld [smem:$0x3F98];
	s0 =	simm.s32 @p1 $0x1  }
0x15: {  	[smem:$0x3FB5] =	sst s0;
	s0 =	simm.s32 @!p2 $0x0  }
0x16: {  	s3 =	sld [smem:$0x3FDB];
	s0 =	simm.s32 @p2 $0x1  }
0x17: {  	s4 =	simm.s32 $0x1BF5;
	[smem:$0x3FB7] =	sst s0  }
0x18: {  	s0 =	sld [smem:$0x3F9A];
	_ =	swait.ge [sflag:s4], $0x0  }
0x19: {  	s7 =	sld [smem:$0x3F9B]  }
0x1a: {  	s8 =	sadd.s32 $0xFFFFE003, lr  }
0x1b: {  	s9 =	sadd.s32 $0xFFFFFEF7, lr;
	s5 =	simm.s32 $0xFFFFFFFF;
	p2 =	slt.u32 s8, $0xFFFFF086  }
0x1c: {  	p1 =	slt.u32 s9, $0xF7A;
	s5 =	simm.s32 @!p2 $0x0  }
0x1d: {  	s5 =	simm.s32 @p1 $0x1;
	p0 =	seq.s32 s7, s2  }
0x1e: {  	s7 =	smul.u32 @!p0 $0xF7A, s2;
	p2 =	seq.s32 @!p0 s5, $0x0  }
0x1f: {  	s9 =	smul.u32 $0xF7A, s1;
	s8 =	simm.s32 @!p0 $0x1BF5;
	p2 =	por !p2, p0  }
0x20: {  	[sflag:s8] =	ssyncset.s32 @!p0 $0xFFFFF086;
	s6 =	sadd.s32 @!p0 s3, s7;
	s7 =	simm.s32 @!p0 $0x108  }
0x21: {  	s3 =	sadd.s32 s3, s9;
	s6 =	sadd.s32 @!p0 $0x88, s6;
	s7 =	simm.s32 @p2 $0x1082  }
0x22: {  	[simem:s7], [sflag:s8] =	dma.local @!p0 [hbm:s6], $0xF7A  }
0x23: {  	s9 =	sor.u32 $0xD0000000, s2;
	s6 =	simm.s32 $0x108;
	_ =	swait.ge @!p0 [sflag:s8], $0x0  }
0x24: {  	s3 =	sadd.s32 $0x88, s3;
	s6 =	simm.s32 @!p1 $0x1082;
	[sflag:s4] =	ssyncset.s32 $0xFFFFF086  }
0x25: {  	[simem:s6], [sflag:s4] =	dma.local [hbm:s3], $0xF7A  }
0x26: {  	[smem:$0x3F9B] =	sst s1;
	(tag) =	ssettag s2;
	_ =	strace s9  }
0x27: {  	s1 =	sld [smem:$0x3FAB]  }
0x28: {  	s2 =	sld [smem:$0x3FAC]  }
0x29: {  	s4 =	sld [smem:$0x3FAE]  }
0x2a: {  	p0 =	seq.s32 s5, $0x0;
	s5 =	sld [smem:$0x3FAF]  }
0x2b: {  	s6 =	sld [smem:$0x3FB0]  }
0x2c: {  	s7 =	sld [smem:$0x3FB1]  }
0x2d: {  	s3 =	simm.s32 $0x108;
	s8 =	sld [smem:$0x3FB2]  }
0x2e: {  	s3 =	simm.s32 @!p0 $0x1082;
	s9 =	sld [smem:$0x3FB3]  }
0x2f: {  	lr =	sadd.s32 s0, s3;
	s0 =	sld [smem:$0x3FAA]  }
0x30: {  	s3 =	sld [smem:$0x3FAD]  }
0x31: {  	[smem:$0x3FB6] =	sst s10  }
0x32: {  	s10 =	sld [smem:$0x3FB4];
	_ =	sdelay $0x3  }
0x33: {  	p0 =	seq.s32 s10, $0x1;
	s10 =	sld [smem:$0x3FB6];
	_ =	sdelay $0x3  }
0x34: {  	[smem:$0x3FB6] =	sst s10  }
0x35: {  	s10 =	sld [smem:$0x3FB5];
	_ =	sdelay $0x3  }
0x36: {  	p1 =	seq.s32 s10, $0x1;
	s10 =	sld [smem:$0x3FB6];
	_ =	sdelay $0x3  }
0x37: {  	[smem:$0x3FB6] =	sst s10  }
0x38: {  	s10 =	sld [smem:$0x3FB7]  }
0x39: {  	_ = 	snop;
	(pc) =	sbr.ind lr, $3  }
0x3a: {  	_ = 	snop  }
0x3b: {  	_ = 	snop  }
0x3c: {  	p2 =	seq.s32 s10, $0x1;
	s10 =	sld [smem:$0x3FB6]  }
0x3d: {  	_ =	shalt  }
0x3e: {  	_ =	shalt  }
0x3f: {  	_ =	shalt  }
0x40: {  	_ =	shalt  }
0x41: {  	_ =	shalt  }
0x42: {  	_ =	shalt  }
0x43: {  	_ =	shalt  }
0x44: {  	_ =	shalt  }
0x45: {  	_ =	shalt  }
0x46: {  	_ =	shalt  }
0x47: {  	_ =	shalt  }
0x48: {  	_ =	shalt  }
0x49: {  	_ =	shalt  }
0x4a: {  	_ =	shalt  }
0x4b: {  	_ =	shalt  }
0x4c: {  	_ =	shalt  }
0x4d: {  	_ =	shalt  }
0x4e: {  	_ =	shalt  }
0x4f: {  	_ =	shalt  }
0x50: {  	_ =	shalt  }
0x51: {  	_ =	shalt  }
0x52: {  	_ =	shalt  }
0x53: {  	_ =	shalt  }
0x54: {  	_ =	shalt  }
0x55: {  	_ =	shalt  }
0x56: {  	_ =	shalt  }
0x57: {  	_ =	shalt  }
0x58: {  	_ =	shalt  }
0x59: {  	_ =	shalt  }
0x5a: {  	_ =	shalt  }
0x5b: {  	_ =	shalt  }
0x5c: {  	_ =	shalt  }
0x5d: {  	_ =	shalt  }
0x5e: {  	_ =	shalt  }
0x5f: {  	_ =	shalt  }
0x60: {  	_ =	shalt  }
0x61: {  	_ =	shalt  }
0x62: {  	_ =	shalt  }
0x63: {  	_ =	shalt  }
0x64: {  	_ =	shalt  }
0x65: {  	_ =	shalt  }
0x66: {  	_ =	shalt  }
0x67: {  	_ =	shalt  }
0x68: {  	_ =	shalt  }
0x69: {  	_ =	shalt  }
0x6a: {  	_ =	shalt  }
0x6b: {  	_ =	shalt  }
0x6c: {  	_ =	shalt  }
0x6d: {  	_ =	shalt  }
0x6e: {  	_ =	shalt  }
0x6f: {  	_ =	shalt  }
0x70: {  	_ =	shalt  }
0x71: {  	_ =	shalt  }
0x72: {  	_ =	shalt  }
0x73: {  	_ =	shalt  }
0x74: {  	_ =	shalt  }
0x75: {  	_ =	shalt  }
0x76: {  	_ =	shalt  }
0x77: {  	_ =	shalt  }
0x78: {  	_ =	shalt  }
0x79: {  	_ =	shalt  }
0x7a: {  	_ =	shalt  }
0x7b: {  	_ =	shalt  }
0x7c: {  	_ =	shalt  }
0x7d: {  	_ =	shalt  }
0x7e: {  	_ =	shalt  }
0x7f: {  	_ =	shalt  }
0x80: {  	_ =	shalt  }
0x81: {  	_ =	shalt  }
0x82: {  	_ =	shalt  }
0x83: {  	_ =	shalt  }
0x84: {  	_ =	shalt  }
0x85: {  	_ =	shalt  }
0x86: {  	_ =	shalt  }
0x87: {  	_ =	shalt  }
.Lfunc_end0:
.L_simem_size_0:
called_computation.1_lowered:
.L_overlay_start_0:
0x88: {  	s2 =	sld [smem:$0x3FD9]  }
0x89: {  	s3 =	sld [smem:$0x3FFE];
	_ =	sdelay $0x1  }
0x8a: {  	s1 =	srdreg.scid  }
0x8b: {  	s0 =	sand.u32 $0x1, s1  }
0x8c: {  	s17 =	sshll.u32 s0, $0xA;
	s2 =	sadd.s32 s3, s2  }
0x8d: {  	s2 =	sadd.s32 s2, s17  }
0x8e: {  	[smem:$0x3FC2] =	sst s2  }
0x8f: {  	_ = 	snop  }
0x90: {  	s2 =	sld [smem:$0x3FD0];
	(tm) =	ssettm $0x1  }
0x91: {  	s18 =	sld [smem:$0x3FFB];
	_ =	sdelay $0x3  }
0x92: {  	_ =	strace s18  }
0x93: {  	s3 =	sld [smem:$0x3FFC];
	_ =	sdelay $0x3  }
0x94: {  	_ =	strace s3  }
0x95: {  	s3 =	sld [smem:$0x3FFD];
	_ =	sdelay $0x3  }
0x96: {  	_ =	strace s3  }
0x97: {  	_ =	strace $0x8FFFFFFF  }
0x98: {  	s19 =	sld [smem:$0x3FDB];
	_ =	sdelay $0x1  }
0x99: {  	s4 =	simm.s32 $_scs_section_size  }
0x9a: {  	s5 =	simm.s32 $_size__tile_overlayer_lowered;
	s6 =	simm.s32 $_tile_overlayer_lowered  }
0x9b: {  	s22 =	simm.s32 $0x1BFF;
	s21 =	sshll.u32 s6, $0x1;
	s3 =	sadd.s32 s4, s19  }
0x9c: {  	s7 =	simm.s32 $0x0;
	s20 =	sshll.u32 s5, $0x1;
	s5 =	sadd.s32 s21, s3  }
0x9d: {  	[timem:s7], [sflag:s22] =	dma.local [hbm:s5], s20  }
0x9e: {  	_ =	swait.ge [sflag:s22], s20  }
0x9f: {  	s4 =	ssub.s32 $0x0, s20;
	[sflag:s22] =	ssyncset.done $0x0  }
0xa0: {  	[sflag:s22] =	ssyncadd.s32 s4;
	_ =	sdelay $0x1  }
0xa1: {  	s23 =	simm.s32 $0x1B8B  }
0xa2: {  	_ =	swait.ge [sflag:s23], $0x1  }
0xa3: {  	[sflag:s23] =	ssyncset.done $0x0  }
0xa4: {  	s25 =	simm.s32 $0x1B8E;
	s24 =	sld [smem:$0x3FFE];
	[sflag:s23] =	ssyncadd.s32 $0xFFFFFFFF  }
0xa5: {  	s26 =	simm.s32 $execute0_lowered;
	[smem:$0x3FD2] =	sst s25  }
0xa6: {  	s5 =	sshll.u32 s26, $0x1;
	_ =	strace $0x80000049;
	[dreg:$0x1] =	wrdreg $0xFFFFFFFF  }
0xa7: {  	s28 =	simm.s32 $_size_execute0_lowered;
	s3 =	sadd.s32 s3, s5;
	[dreg:$0x0] =	wrdreg $0x0  }
0xa8: {  	s5 =	sshll.u32 s28, $0x1;
	[dreg:$0x2] =	wrdreg s3  }
0xa9: {  	[dreg:$0x3] =	wrdreg s5  }
0xaa: {  	[dreg:$0x4] =	wrdreg $0xC0  }
0xab: {  	_ =	task [dreg:s7], $0x5FFFF  }
0xac: {  	[dreg:$0x1] =	wrdreg $0xFFFFFFFF  }
0xad: {  	[dreg:$0x0] =	wrdreg $0x60  }
0xae: {  	[dreg:$0x2] =	wrdreg s24  }
0xaf: {  	[dreg:$0x3] =	wrdreg s2  }
0xb0: {  	[dreg:$0x4] =	wrdreg $0xB8000  }
0xb1: {  	[dreg:$0x5] =	wrdreg $0x9  }
0xb2: {  	_ =	task.clear_ibuf [dreg:s7], $0x6FFFF;
	_ =	strace $0x90000049  }
0xb3: {  	s29 =	simm.s32 $0x9;
	_ =	strace $0x8000004B  }
0xb4: {  	_ =	swait.ge [sflag:s29], $0x1  }
0xb5: {  	[sflag:s29] =	ssyncadd.s32 $0xFFFFFFFF  }
0xb6: {  	_ =	strace $0x9000004B  }
0xb7: {  	_ =	sfence  }
0xb8: {  	s30 =	sld [smem:$0x0];
	_ =	sdelay $0x2  }
0xb9: {  	s31 =	sshll.u32 s1, $0xD;
	s1 =	sshrl.u32 s1, $0x2  }
0xba: {  	s3 =	sand.u32 $0x4000, s31;
	s1 =	sadd.s32 s1, s30  }
0xbb: {  	s0 =	sor.u32 s3, s0;
	s1 =	sshll.u32 s1, $0x11  }
0xbc: {  	s0 =	sor.u32 s1, s0  }
0xbd: {  	s0 =	sadd.s32 $0x8F2B, s0  }
0xbe: {  	[sflag:s0] =	ssyncadd.remote.s32 $0x1  }
0xbf: {  	_ =	sfence.sel $0xFFFF  }
0xc0: {  	[dreg:$0x0] =	wrdreg $0xFFFFFFFF;
	(pc) =	sbr.abs _section_cstart, $3  }
0xc1: {  	[dreg:$0x1] =	wrdreg $0xFFFFFFFF  }
0xc2: {  	_ =	task.clear_ibuf [dreg:s7], $0x2FFFF;
	_ =	strace $0x9FFFFFFF  }
0xc3: {  	(tm) =	ssettm $0x7FFFFFFF  }
tec
execute0_lowered:
.L_overlay_start_1:
0x0: {  	(tag) =	ssettag $0x1  }
0x1: {  	s17 =	stileid.u32  }
0x2: {  	s0 =	srdreg.scid;
	s2 =	rddreg [dreg:$0x0]  }
0x3: {  	s4 =	rddreg [dreg:$0x1];
	s1 =	simm.s32 $0x0;
	s3 =	smul.u32 $0xA00, s17  }
0x4: {  	s0 =	sand.u32 $0x1, s0;
	s8 =	smul.u32 $0x14000, s17;
	[smem:$0x7FF] =	sst s1  }
0x5: {  	s9 =	sadd.s32 $0x55400, s2;
	s5 =	ssub.s32 $0x2, s0;
	s6 =	smul.u32 $0x140000, s0  }
0x6: {  	s7 =	sshrl.u32 s5, $0x1;
	s3 =	sadd.s32 s4, s3;
	s4 =	sor.u32 $0x2000, s8  }
0x7: {  	s10 =	sadd.s32 $0x4000, s8;
	s11 =	sadd.s32 $0x8000, s8;
	s13 =	sadd.s32 $0xA000, s8  }
0x8: {  	s14 =	sadd.s32 $0xC000, s8;
	s5 =	ssub.s32 s5, s7;
	[dreg:$0x4] =	wrdreg s3  }
0x9: {  	s15 =	sadd.s32 s6, s8;
	s16 =	sadd.s32 s6, s4;
	s19 =	sadd.s32 s6, s10  }
0xa: {  	s7 =	sadd.s32 $0x6000, s8;
	s12 =	sadd.s32 s6, s11;
	s23 =	sadd.s32 s6, s13  }
0xb: {  	s25 =	sadd.s32 s6, s14;
	s3 =	sshrl.u32 s15, $0x3;
	s18 =	sshrl.u32 s16, $0x3  }
0xc: {  	s20 =	sshrl.u32 s19, $0x3;
	s21 =	sadd.s32 s6, s7;
	s22 =	sshrl.u32 s12, $0x3  }
0xd: {  	s16 =	sadd.s32 $0xE000, s8;
	s12 =	rddreg [dreg:$0x2];
	s3 =	sadd.s32 s9, s3  }
0xe: {  	s24 =	sshrl.u32 s23, $0x3;
	s26 =	sadd.s32 s6, s16;
	[dreg:$0x5] =	wrdreg s3  }
0xf: {  	s3 =	sadd.s32 s9, s18;
	s18 =	sadd.s32 $0x10000, s8;
	s15 =	sshrl.u32 s26, $0x3  }
0x10: {  	s8 =	sadd.s32 $0x12000, s8;
	s26 =	sadd.s32 s10, s12;
	s10 =	simm.s32 $0x1  }
0x11: {  	[dreg:$0x6] =	wrdreg s3;
	s3 =	sadd.s32 s9, s20;
	s19 =	sadd.s32 s6, s18  }
0x12: {  	s6 =	sadd.s32 s6, s8;
	[dreg:$0x7] =	wrdreg s3;
	s3 =	sshrl.u32 s21, $0x3  }
0x13: {  	s28 =	sadd.s32 s8, s12;
	s6 =	sshrl.u32 s6, $0x3;
	s3 =	sadd.s32 s9, s3  }
0x14: {  	s8 =	simm.s32 $0x40;
	s21 =	sadd.s32 s9, s6;
	[dreg:$0x8] =	wrdreg s3  }
0x15: {  	s20 =	sshrl.u32 s19, $0x3;
	s3 =	sadd.s32 s9, s22;
	[dreg:$0xe] =	wrdreg s21  }
0x16: {  	s19 =	smul.u32 $0x2710, s0;
	[dreg:$0x9] =	wrdreg s3;
	s3 =	sadd.s32 s9, s24  }
0x17: {  	s6 =	simm.s32 $0x3;
	[dreg:$0xa] =	wrdreg s3;
	s3 =	sshrl.u32 s25, $0x3  }
0x18: {  	s21 =	sadd.s32 s7, s12;
	s7 =	simm.s32 $0x7800;
	s3 =	sadd.s32 s9, s3  }
0x19: {  	[dreg:$0xb] =	wrdreg s3;
	s3 =	sadd.s32 s9, s15;
	s15 =	smul.u32 $0x500, s17  }
0x1a: {  	s24 =	smax.u32 s5, $0x1;
	s25 =	sadd.s32 s4, s12;
	s17 =	smul.u32 $0x50000, s17  }
0x1b: {  	[dreg:$0xc] =	wrdreg s3;
	s3 =	sadd.s32 s9, s20;
	s9 =	simm.s32 $0x9800  }
0x1c: {  	[dreg:$0xd] =	wrdreg s3;
	s22 =	sadd.s32 s15, s2;
	s15 =	sadd.s32 $0x7200, s2  }
0x1d: {  	s23 =	sshrl.u32 s17, $0x2;
	_ =	strace $0x8000004A;
	[dreg:$0x10] =	wrdreg s24  }
0x1e: {  	s3 =	sadd.s32 $0x2200, s22;
	s17 =	sadd.s32 s23, s12;
	[dreg:$0x11] =	wrdreg s25  }
0x1f: {  	[dreg:$0x12] =	wrdreg s26;
	s22 =	sadd.s32 s11, s12;
	s23 =	sadd.s32 s13, s12  }
0x20: {  	s24 =	sadd.s32 s14, s12;
	s25 =	sadd.s32 s16, s12;
	s26 =	sadd.s32 s18, s12  }
0x21: {  	s13 =	simm.s32 $0x2;
	s14 =	simm.s32 $0x0;
	[dreg:$0xf] =	wrdreg s3  }
0x22: {  	s29 =	sadd.s32 $0x2000, s17;
	s30 =	sadd.s32 $0x4000, s17;
	s31 =	sadd.s32 $0x6000, s17  }
0x23: {  	s11 =	sadd.s32 $0x8000, s17;
	s0 =	sadd.s32 $0xA000, s17;
	s2 =	sadd.s32 $0xC000, s17  }
0x24: {  	v1 =	vimm.f32 $0.0e+00;
	v0 =	vmov s19;
	s3 =	sadd.s32 $0xE000, s17;
	s4 =	sadd.s32 $0x10000, s17;
	s5 =	sadd.s32 $0x12000, s17  }
.LBB2_1:
0x25: {  	s16 =	rddreg [dreg:$0xf]  }
0x26: {  	[tilespmem:s1], [sflag:$0x3] =	stream.linear.gather [hbm4b:s16+s1], $0x2800, $0x38;
	[tilespmem:$0x1F800] =	vst v63  }
0x27: {  	_ =	swait.ge [sflag:s6], $0x2800  }
0x28: {  	[sflag:s6] =	ssyncset.done $0x0  }
0x29: {  	s18 =	simm.s32 $0x40;
	s16 =	simm.s32 $0x0;
	[sflag:s6] =	ssyncadd.s32 $0xFFFFD800  }
.LBB2_2:
0x2a: {  	p0 =	sne.s32 s18, $0x9FC0;
	v2 =	vld [tilespmem:s16+$0x0];
	_ =	sdelay $0x1  }
.Ltmp0:
0x2b: {  	(pc) =	sbr.rel @p0 .LBB2_2-.Ltmp0, $3  }
0x2c: {  	_ =	sdelay $0x1  }
0x2d: {  	v2 =	vadd.s32 v0, v2  }
0x2e: {  	[tilespmem:s16+$0x0] =	vst v2;
	s16 =	sshra.s32 s18, $0x2;
	s18 =	sadd.s32 $0x40, s18  }
0x2f: {  	v2 =	vld [tilespmem:s16+$0x0];
	_ =	sdelay $0x4  }
0x30: {  	v2 =	vadd.s32 v0, v2  }
0x31: {  	s20 =	simm.s32 $0x0;
	s18 =	rddreg [dreg:$0x4];
	s19 =	simm.s32 $0x2800;
	[tilespmem:s16+$0x0] =	vst v2  }
0x32: {  	[tilespmem:s19], [sflag:$0x3] =	stream.linear.gather [hbm4b:s18+s20], $0x5000, $0x38;
	[tilespmem:$0x1F800] =	vst v63  }
0x33: {  	_ =	swait.ge [sflag:s6], $0x5000  }
0x34: {  	[sflag:s6] =	ssyncset.done $0x0  }
0x35: {  	s16 =	simm.s32 $0x0;
	s18 =	simm.s32 $0x200;
	[sflag:s6] =	ssyncadd.s32 $0xFFFFB000  }
.LBB2_4:
0x36: {  	p0 =	sne.s32 s18, $0x7E00;
	[tilespmem:s16+$0x7870] =	vst v1  }
0x37: {  	[tilespmem:s16+$0x7800] =	vst v1  }
0x38: {  	[tilespmem:s16+$0x7810] =	vst v1  }
.Ltmp1:
0x39: {  	[tilespmem:s16+$0x7820] =	vst v1;
	(pc) =	sbr.rel @p0 .LBB2_4-.Ltmp1, $4  }
0x3a: {  	[tilespmem:s16+$0x7830] =	vst v1  }
0x3b: {  	[tilespmem:s16+$0x7840] =	vst v1  }
0x3c: {  	[tilespmem:s16+$0x7850] =	vst v1  }
0x3d: {  	[tilespmem:s16+$0x7860] =	vst v1;
	s16 =	sshra.s32 s18, $0x2;
	s18 =	sadd.s32 $0x200, s18  }
0x3e: {  	[tilespmem:s16+$0x7870] =	vst v1  }
0x3f: {  	[tilespmem:s16+$0x7800] =	vst v1  }
0x40: {  	[tilespmem:s16+$0x7810] =	vst v1  }
0x41: {  	[tilespmem:s16+$0x7820] =	vst v1  }
0x42: {  	[tilespmem:s16+$0x7830] =	vst v1  }
0x43: {  	[tilespmem:s16+$0x7840] =	vst v1  }
0x44: {  	[tilespmem:s16+$0x7850] =	vst v1  }
0x45: {  	[tilespmem:s16+$0x7860] =	vst v1  }
0x46: {  	[spmem:s17] =	stream.linear.scatter [tilespmem:s7], [sflag:$0x3], $0x2000, $0x38;
	[tilespmem:$0x1F800] =	vst v63  }
0x47: {  	_ =	swait.ge [sflag:s6], $0x2000  }
0x48: {  	[sflag:s6] =	ssyncset.done $0x0  }
0x49: {  	[sflag:s6] =	ssyncadd.s32 $0xFFFFE000  }
0x4a: {  	[spmem:s29] =	stream.linear.scatter [tilespmem:s7], [sflag:$0x3], $0x2000, $0x38;
	[tilespmem:$0x1F800] =	vst v63  }
0x4b: {  	_ =	swait.ge [sflag:s6], $0x2000  }
0x4c: {  	[sflag:s6] =	ssyncset.done $0x0  }
0x4d: {  	[sflag:s6] =	ssyncadd.s32 $0xFFFFE000  }
0x4e: {  	[spmem:s30] =	stream.linear.scatter [tilespmem:s7], [sflag:$0x3], $0x2000, $0x38;
	[tilespmem:$0x1F800] =	vst v63  }
0x4f: {  	_ =	swait.ge [sflag:s6], $0x2000  }
0x50: {  	[sflag:s6] =	ssyncset.done $0x0  }
0x51: {  	[sflag:s6] =	ssyncadd.s32 $0xFFFFE000  }
0x52: {  	[spmem:s31] =	stream.linear.scatter [tilespmem:s7], [sflag:$0x3], $0x2000, $0x38;
	[tilespmem:$0x1F800] =	vst v63  }
0x53: {  	_ =	swait.ge [sflag:s6], $0x2000  }
0x54: {  	[sflag:s6] =	ssyncset.done $0x0  }
0x55: {  	[sflag:s6] =	ssyncadd.s32 $0xFFFFE000  }
0x56: {  	[spmem:s11] =	stream.linear.scatter [tilespmem:s7], [sflag:$0x3], $0x2000, $0x38;
	[tilespmem:$0x1F800] =	vst v63  }
0x57: {  	_ =	swait.ge [sflag:s6], $0x2000  }
0x58: {  	[sflag:s6] =	ssyncset.done $0x0  }
0x59: {  	[sflag:s6] =	ssyncadd.s32 $0xFFFFE000  }
0x5a: {  	[spmem:s0] =	stream.linear.scatter [tilespmem:s7], [sflag:$0x3], $0x2000, $0x38;
	[tilespmem:$0x1F800] =	vst v63  }
0x5b: {  	_ =	swait.ge [sflag:s6], $0x2000  }
0x5c: {  	[sflag:s6] =	ssyncset.done $0x0  }
0x5d: {  	[sflag:s6] =	ssyncadd.s32 $0xFFFFE000  }
0x5e: {  	[spmem:s2] =	stream.linear.scatter [tilespmem:s7], [sflag:$0x3], $0x2000, $0x38;
	[tilespmem:$0x1F800] =	vst v63  }
0x5f: {  	_ =	swait.ge [sflag:s6], $0x2000  }
0x60: {  	[sflag:s6] =	ssyncset.done $0x0  }
0x61: {  	[sflag:s6] =	ssyncadd.s32 $0xFFFFE000  }
0x62: {  	[spmem:s3] =	stream.linear.scatter [tilespmem:s7], [sflag:$0x3], $0x2000, $0x38;
	[tilespmem:$0x1F800] =	vst v63  }
0x63: {  	_ =	swait.ge [sflag:s6], $0x2000  }
0x64: {  	[sflag:s6] =	ssyncset.done $0x0  }
0x65: {  	[sflag:s6] =	ssyncadd.s32 $0xFFFFE000  }
0x66: {  	[spmem:s4] =	stream.linear.scatter [tilespmem:s7], [sflag:$0x3], $0x2000, $0x38;
	[tilespmem:$0x1F800] =	vst v63  }
0x67: {  	_ =	swait.ge [sflag:s6], $0x2000  }
0x68: {  	[sflag:s6] =	ssyncset.done $0x0  }
0x69: {  	[sflag:s6] =	ssyncadd.s32 $0xFFFFE000  }
0x6a: {  	[spmem:s5] =	stream.linear.scatter [tilespmem:s7], [sflag:$0x3], $0x2000, $0x38;
	[tilespmem:$0x1F800] =	vst v63  }
0x6b: {  	_ =	swait.ge [sflag:s6], $0x2000  }
0x6c: {  	[sflag:s6] =	ssyncset.done $0x0  }
0x6d: {  	[sflag:s6] =	ssyncadd.s32 $0xFFFFE000  }
0x6e: {  	s16 =	simm.s32 $0x40;
	s18 =	simm.s32 $0x0;
	[bflag:$0x0] =	sbarrier.arrive $0xFFFF  }
0x6f: {  	[tilespmem:s7], [sflag:$0x1] =	stream.indirect.gather [hbm4b:s15+s16], $0x80, s18, s16, $0xb8;
	[tilespmem:$0x1F800] =	vst v63  }
0x70: {  	_ = 	snop  }
0x71: {  	[tilespmem:s9], [sflag:$0x2] =	stream.indirect.gather [hbm4b:s15+s8], $0x80, s16, s8, $0xb8;
	[tilespmem:$0x1F800] =	vst v63  }
0x72: {  	_ =	swait.ge [sflag:s10], $0x2000  }
0x73: {  	[sflag:s10] =	ssyncset.done $0x0  }
0x74: {  	s20 =	simm.s32 $0x2800;
	[sflag:s10] =	ssyncadd.s32 $0xFFFFE000  }
0x75: {  	[spmem:s12] =	stream.indirect.scatter.add.f32 [tilespmem:s7], [sflag:$0x3], $0x80, s20, s8, $0xb8;
	[tilespmem:$0x1F800] =	vst v63  }
0x76: {  	_ =	swait.ge [sflag:s6], $0x2000  }
0x77: {  	[sflag:s6] =	ssyncset.done $0x0  }
0x78: {  	s19 =	simm.s32 $0x80;
	[sflag:s6] =	ssyncadd.s32 $0xFFFFE000  }
0x79: {  	[tilespmem:s7], [sflag:$0x1] =	stream.indirect.gather [hbm4b:s15+s8], $0x80, s19, s8, $0xb8;
	[tilespmem:$0x1F800] =	vst v63  }
0x7a: {  	_ =	swait.ge [sflag:s13], $0x2000  }
0x7b: {  	[sflag:s13] =	ssyncset.done $0x0  }
0x7c: {  	s20 =	simm.s32 $0x2880;
	[sflag:s13] =	ssyncadd.s32 $0xFFFFE000  }
0x7d: {  	[spmem:s12] =	stream.indirect.scatter.add.f32 [tilespmem:s9], [sflag:$0x3], $0x80, s20, s8, $0xb8;
	[tilespmem:$0x1F800] =	vst v63  }
0x7e: {  	_ =	swait.ge [sflag:s6], $0x2000  }
0x7f: {  	s18 =	simm.s32 $0x400;
	[sflag:s6] =	ssyncset.done $0x0  }
.LBB2_6:
0x80: {  	p0 =	sne.s32 s18, $0x13800;
	[sflag:s6] =	ssyncadd.s32 $0xFFFFE000;
	s16 =	sadd.s32 $0x80, s16  }
0x81: {  	[tilespmem:s9], [sflag:$0x2] =	stream.indirect.gather [hbm4b:s15+s8], $0x80, s16, s8, $0xb8;
	[tilespmem:$0x1F800] =	vst v63  }
0x82: {  	s19 =	smov.u32 s18;
	s18 =	sadd.s32 $0x400, s18;
	_ =	swait.ge [sflag:s10], $0x2000  }
0x83: {  	s19 =	sshra.s32 s19, $0x2;
	[sflag:s10] =	ssyncset.done $0x0  }
0x84: {  	s20 =	sadd.s32 $0x2800, s19;
	[sflag:s10] =	ssyncadd.s32 $0xFFFFE000  }
0x85: {  	[spmem:s12] =	stream.indirect.scatter.add.f32 [tilespmem:s7], [sflag:$0x3], $0x80, s20, s8, $0xb8;
	[tilespmem:$0x1F800] =	vst v63  }
0x86: {  	_ =	swait.ge [sflag:s6], $0x2000  }
0x87: {  	[sflag:s6] =	ssyncset.done $0x0  }
0x88: {  	s20 =	sadd.s32 $0x40, s16;
	[sflag:s6] =	ssyncadd.s32 $0xFFFFE000  }
0x89: {  	[tilespmem:s7], [sflag:$0x1] =	stream.indirect.gather [hbm4b:s15+s8], $0x80, s20, s8, $0xb8;
	[tilespmem:$0x1F800] =	vst v63  }
0x8a: {  	_ =	swait.ge [sflag:s13], $0x2000  }
.Ltmp2:
0x8b: {  	[sflag:s13] =	ssyncset.done $0x0;
	(pc) =	sbr.rel @p0 .LBB2_6-.Ltmp2, $4  }
0x8c: {  	s19 =	sadd.s32 $0x2880, s19;
	[sflag:s13] =	ssyncadd.s32 $0xFFFFE000  }
0x8d: {  	[spmem:s12] =	stream.indirect.scatter.add.f32 [tilespmem:s9], [sflag:$0x3], $0x80, s19, s8, $0xb8;
	[tilespmem:$0x1F800] =	vst v63  }
0x8e: {  	_ =	swait.ge [sflag:s6], $0x2000  }
0x8f: {  	[sflag:s6] =	ssyncset.done $0x0  }
0x90: {  	[sflag:s6] =	ssyncadd.s32 $0xFFFFE000;
	s16 =	simm.s32 $0x27C0  }
0x91: {  	[tilespmem:s9], [sflag:$0x2] =	stream.indirect.gather [hbm4b:s15+s8], $0x80, s16, s8, $0xb8;
	[tilespmem:$0x1F800] =	vst v63  }
0x92: {  	_ =	swait.ge [sflag:s10], $0x2000  }
0x93: {  	[sflag:s10] =	ssyncset.done $0x0  }
0x94: {  	s18 =	simm.s32 $0x7700;
	[sflag:s10] =	ssyncadd.s32 $0xFFFFE000  }
0x95: {  	[spmem:s12] =	stream.indirect.scatter.add.f32 [tilespmem:s7], [sflag:$0x3], $0x80, s18, s8, $0xb8;
	[tilespmem:$0x1F800] =	vst v63  }
0x96: {  	_ =	swait.ge [sflag:s6], $0x2000  }
0x97: {  	[sflag:s6] =	ssyncset.done $0x0  }
0x98: {  	[sflag:s6] =	ssyncadd.s32 $0xFFFFE000  }
0x99: {  	_ =	swait.ge [sflag:s13], $0x2000  }
0x9a: {  	[sflag:s13] =	ssyncset.done $0x0  }
0x9b: {  	s19 =	simm.s32 $0x7780;
	[sflag:s13] =	ssyncadd.s32 $0xFFFFE000  }
0x9c: {  	[spmem:s12] =	stream.indirect.scatter.add.f32 [tilespmem:s9], [sflag:$0x3], $0x80, s19, s8, $0xb8;
	[tilespmem:$0x1F800] =	vst v63  }
0x9d: {  	_ =	swait.ge [sflag:s6], $0x2000  }
0x9e: {  	[sflag:s6] =	ssyncset.done $0x0  }
0x9f: {  	[sflag:s6] =	ssyncadd.s32 $0xFFFFE000  }
0xa0: {  	[bflag:$0x0] =	sbarrier.arrive $0xFFFF  }
0xa1: {  	[tilespmem:s7], [sflag:$0x3] =	stream.linear.gather [spmem:s17], $0x2000, $0x38;
	[tilespmem:$0x1F800] =	vst v63  }
0xa2: {  	_ =	swait.ge [sflag:s6], $0x2000  }
0xa3: {  	[sflag:s6] =	ssyncset.done $0x0  }
0xa4: {  	s20 =	rddreg [dreg:$0x5];
	[sflag:s6] =	ssyncadd.s32 $0xFFFFE000  }
0xa5: {  	[hbm4b:s20+s1] =	stream.linear.scatter [tilespmem:s7], [sflag:$0x3], $0x2000, $0x38;
	[tilespmem:$0x1F800] =	vst v63  }
0xa6: {  	_ =	swait.ge [sflag:s6], $0x2000  }
0xa7: {  	[sflag:s6] =	ssyncset.done $0x0  }
0xa8: {  	s18 =	rddreg [dreg:$0x11];
	[sflag:s6] =	ssyncadd.s32 $0xFFFFE000  }
0xa9: {  	[tilespmem:s7], [sflag:$0x3] =	stream.linear.gather [spmem:s18], $0x2000, $0x38;
	[tilespmem:$0x1F800] =	vst v63  }
0xaa: {  	_ =	swait.ge [sflag:s6], $0x2000  }
0xab: {  	[sflag:s6] =	ssyncset.done $0x0  }
0xac: {  	s19 =	rddreg [dreg:$0x6];
	[sflag:s6] =	ssyncadd.s32 $0xFFFFE000  }
0xad: {  	[hbm4b:s19+s1] =	stream.linear.scatter [tilespmem:s7], [sflag:$0x3], $0x2000, $0x38;
	[tilespmem:$0x1F800] =	vst v63  }
0xae: {  	_ =	swait.ge [sflag:s6], $0x2000  }
0xaf: {  	[sflag:s6] =	ssyncset.done $0x0  }
0xb0: {  	s20 =	rddreg [dreg:$0x12];
	[sflag:s6] =	ssyncadd.s32 $0xFFFFE000  }
0xb1: {  	[tilespmem:s7], [sflag:$0x3] =	stream.linear.gather [spmem:s20], $0x2000, $0x38;
	[tilespmem:$0x1F800] =	vst v63  }
0xb2: {  	_ =	swait.ge [sflag:s6], $0x2000  }
0xb3: {  	[sflag:s6] =	ssyncset.done $0x0  }
0xb4: {  	s18 =	rddreg [dreg:$0x7];
	[sflag:s6] =	ssyncadd.s32 $0xFFFFE000  }
0xb5: {  	[hbm4b:s18+s1] =	stream.linear.scatter [tilespmem:s7], [sflag:$0x3], $0x2000, $0x38;
	[tilespmem:$0x1F800] =	vst v63  }
0xb6: {  	_ =	swait.ge [sflag:s6], $0x2000  }
0xb7: {  	[sflag:s6] =	ssyncset.done $0x0  }
0xb8: {  	[sflag:s6] =	ssyncadd.s32 $0xFFFFE000  }
0xb9: {  	[tilespmem:s7], [sflag:$0x3] =	stream.linear.gather [spmem:s21], $0x2000, $0x38;
	[tilespmem:$0x1F800] =	vst v63  }
0xba: {  	_ =	swait.ge [sflag:s6], $0x2000  }
0xbb: {  	[sflag:s6] =	ssyncset.done $0x0  }
0xbc: {  	s19 =	rddreg [dreg:$0x8];
	[sflag:s6] =	ssyncadd.s32 $0xFFFFE000  }
0xbd: {  	[hbm4b:s19+s1] =	stream.linear.scatter [tilespmem:s7], [sflag:$0x3], $0x2000, $0x38;
	[tilespmem:$0x1F800] =	vst v63  }
0xbe: {  	_ =	swait.ge [sflag:s6], $0x2000  }
0xbf: {  	[sflag:s6] =	ssyncset.done $0x0  }
0xc0: {  	[sflag:s6] =	ssyncadd.s32 $0xFFFFE000  }
0xc1: {  	[tilespmem:s7], [sflag:$0x3] =	stream.linear.gather [spmem:s22], $0x2000, $0x38;
	[tilespmem:$0x1F800] =	vst v63  }
0xc2: {  	_ =	swait.ge [sflag:s6], $0x2000  }
0xc3: {  	[sflag:s6] =	ssyncset.done $0x0  }
0xc4: {  	s20 =	rddreg [dreg:$0x9];
	[sflag:s6] =	ssyncadd.s32 $0xFFFFE000  }
0xc5: {  	[hbm4b:s20+s1] =	stream.linear.scatter [tilespmem:s7], [sflag:$0x3], $0x2000, $0x38;
	[tilespmem:$0x1F800] =	vst v63  }
0xc6: {  	_ =	swait.ge [sflag:s6], $0x2000  }
0xc7: {  	[sflag:s6] =	ssyncset.done $0x0  }
0xc8: {  	[sflag:s6] =	ssyncadd.s32 $0xFFFFE000  }
0xc9: {  	[tilespmem:s7], [sflag:$0x3] =	stream.linear.gather [spmem:s23], $0x2000, $0x38;
	[tilespmem:$0x1F800] =	vst v63  }
0xca: {  	_ =	swait.ge [sflag:s6], $0x2000  }
0xcb: {  	[sflag:s6] =	ssyncset.done $0x0  }
0xcc: {  	s18 =	rddreg [dreg:$0xa];
	[sflag:s6] =	ssyncadd.s32 $0xFFFFE000  }
0xcd: {  	[hbm4b:s18+s1] =	stream.linear.scatter [tilespmem:s7], [sflag:$0x3], $0x2000, $0x38;
	[tilespmem:$0x1F800] =	vst v63  }
0xce: {  	_ =	swait.ge [sflag:s6], $0x2000  }
0xcf: {  	[sflag:s6] =	ssyncset.done $0x0  }
0xd0: {  	[sflag:s6] =	ssyncadd.s32 $0xFFFFE000  }
0xd1: {  	[tilespmem:s7], [sflag:$0x3] =	stream.linear.gather [spmem:s24], $0x2000, $0x38;
	[tilespmem:$0x1F800] =	vst v63  }
0xd2: {  	_ =	swait.ge [sflag:s6], $0x2000  }
0xd3: {  	[sflag:s6] =	ssyncset.done $0x0  }
0xd4: {  	s19 =	rddreg [dreg:$0xb];
	[sflag:s6] =	ssyncadd.s32 $0xFFFFE000  }
0xd5: {  	[hbm4b:s19+s1] =	stream.linear.scatter [tilespmem:s7], [sflag:$0x3], $0x2000, $0x38;
	[tilespmem:$0x1F800] =	vst v63  }
0xd6: {  	_ =	swait.ge [sflag:s6], $0x2000  }
0xd7: {  	[sflag:s6] =	ssyncset.done $0x0  }
0xd8: {  	[sflag:s6] =	ssyncadd.s32 $0xFFFFE000  }
0xd9: {  	[tilespmem:s7], [sflag:$0x3] =	stream.linear.gather [spmem:s25], $0x2000, $0x38;
	[tilespmem:$0x1F800] =	vst v63  }
0xda: {  	_ =	swait.ge [sflag:s6], $0x2000  }
0xdb: {  	[sflag:s6] =	ssyncset.done $0x0  }
0xdc: {  	s20 =	rddreg [dreg:$0xc];
	[sflag:s6] =	ssyncadd.s32 $0xFFFFE000  }
0xdd: {  	[hbm4b:s20+s1] =	stream.linear.scatter [tilespmem:s7], [sflag:$0x3], $0x2000, $0x38;
	[tilespmem:$0x1F800] =	vst v63  }
0xde: {  	_ =	swait.ge [sflag:s6], $0x2000  }
0xdf: {  	[sflag:s6] =	ssyncset.done $0x0  }
0xe0: {  	[sflag:s6] =	ssyncadd.s32 $0xFFFFE000  }
0xe1: {  	[tilespmem:s7], [sflag:$0x3] =	stream.linear.gather [spmem:s26], $0x2000, $0x38;
	[tilespmem:$0x1F800] =	vst v63  }
0xe2: {  	_ =	swait.ge [sflag:s6], $0x2000  }
0xe3: {  	[sflag:s6] =	ssyncset.done $0x0  }
0xe4: {  	s18 =	rddreg [dreg:$0xd];
	[sflag:s6] =	ssyncadd.s32 $0xFFFFE000  }
0xe5: {  	[hbm4b:s18+s1] =	stream.linear.scatter [tilespmem:s7], [sflag:$0x3], $0x2000, $0x38;
	[tilespmem:$0x1F800] =	vst v63  }
0xe6: {  	_ =	swait.ge [sflag:s6], $0x2000  }
0xe7: {  	[sflag:s6] =	ssyncset.done $0x0  }
0xe8: {  	[sflag:s6] =	ssyncadd.s32 $0xFFFFE000  }
0xe9: {  	[tilespmem:s7], [sflag:$0x3] =	stream.linear.gather [spmem:s28], $0x2000, $0x38;
	[tilespmem:$0x1F800] =	vst v63  }
0xea: {  	_ =	swait.ge [sflag:s6], $0x2000  }
0xeb: {  	[sflag:s6] =	ssyncset.done $0x0  }
0xec: {  	s19 =	rddreg [dreg:$0xe];
	[sflag:s6] =	ssyncadd.s32 $0xFFFFE000  }
0xed: {  	[hbm4b:s19+s1] =	stream.linear.scatter [tilespmem:s7], [sflag:$0x3], $0x2000, $0x38;
	[tilespmem:$0x1F800] =	vst v63  }
0xee: {  	_ =	swait.ge [sflag:s6], $0x2000  }
0xef: {  	s14 =	sadd.s32 $0x1, s14;
	s20 =	rddreg [dreg:$0x10]  }
0xf0: {  	p0 =	sne.s32 s14, s20  }
.Ltmp3:
0xf1: {  	_ = 	snop;
	(pc) =	sbr.rel @p0 .LBB2_1-.Ltmp3, $3  }
0xf2: {  	_ =	sdelay $0x1  }
0xf3: {  	[sflag:s6] =	ssyncset.done $0x0  }
0xf4: {  	[sflag:s6] =	ssyncadd.s32 $0xFFFFE000  }
0xf5: {  	_ =	sfence.sel $0x180000  }
0xf6: {  	[bflag:$0x0] =	sbarrier.arrive $0xFFFF  }
0xf7: {  	_ =	strace $0x9000004A  }
0xf8: {  	s0 =	stileid.u32;
	[bflag:$0x2] =	sbarrier.arrive $0xFFFF  }
0xf9: {  	p0 =	sne.s32 s0, $0x0;
	s0 =	rddreg [dreg:$0x3]  }
0xfa: {  	s0 =	sadd.s32 @!p0 $0x100000, s0  }
0xfb: {  	[sflag:s0] =	ssyncadd.tile.s32 @!p0 $0x1;
	_ =	shalt  }
.Lfunc_end2:
_tile_overlayer_lowered:
.L_overlay_start_2:
0xfc: {  	(tag) =	ssettag $0x2  }
0xfd: {  	s0 =	rddreg [dreg:$0x0];
	s2 =	stileid.u32  }
0xfe: {  	s1 =	rddreg [dreg:$0x1];
	p0 =	sne.s32 s2, $0x0  }
0xff: {  	s3 =	rddreg [dreg:$0x2];
	[bflag:$0x3] =	sbarrier.arrive $0xFFFF;
	s2 =	simm.s32 @!p0 $0x1C03  }
0x100: {  	[timem:s3], [sflag:s2] =	dma.local @!p0 [hbm:s0], s1  }
0x101: {  	s0 =	simm.s32 @!p0 $0x3  }
0x102: {  	_ =	swait.ge @!p0 [sflag:s0], s1  }
0x103: {  	s1 =	ssub.s32 @!p0 $0x0, s1;
	[sflag:s0] =	ssyncset.done @!p0 $0x0  }
0x104: {  	[sflag:s0] =	ssyncadd.s32 @!p0 s1  }
0x105: {  	[bflag:$0x3] =	sbarrier.arrive $0xFFFF  }
0x106: {  	_ =	shalt  }

// kernel: kernel.14.cloned.1.call-start
scs
__scs_entry_jumppad:
0x0: {  	(pc) =	sbr.rel $0x88, $3  }
0x1: {  	(tag) =	ssettag $0x0;
	lr =	simm.s32 $0x1  }
0x2: {  	[smem:$0x3F9B] =	sst lr;
	_ =	strace $0xD0000000  }
0x3: {  	_ = 	snop  }
0x4: {  	_ = 	snop  }
0x5: {  	_ = 	snop  }
0x6: {  	_ = 	snop  }
0x7: {  	_ = 	snop  }
__scs_overlays_trampoline_lowered:
0x8: {  	[smem:$0x3FAA] =	sst s0  }
0x9: {  	[smem:$0x3FAB] =	sst s1  }
0xa: {  	[smem:$0x3FAC] =	sst s2  }
0xb: {  	[smem:$0x3FAD] =	sst s3  }
0xc: {  	[smem:$0x3FAE] =	sst s4  }
0xd: {  	[smem:$0x3FAF] =	sst s5  }
0xe: {  	[smem:$0x3FB0] =	sst s6  }
0xf: {  	[smem:$0x3FB1] =	sst s7  }
0x10: {  	[smem:$0x3FB2] =	sst s8  }
0x11: {  	[smem:$0x3FB3] =	sst s9;
	s0 =	simm.s32 @!p0 $0x0  }
0x12: {  	s1 =	sld [smem:$0x3F99];
	s0 =	simm.s32 @p0 $0x1  }
0x13: {  	[smem:$0x3FB4] =	sst s0;
	s0 =	simm.s32 @!p1 $0x0  }
0x14: {  	s2 =	sld [smem:$0x3F98];
	s0 =	simm.s32 @p1 $0x1  }
0x15: {  	[smem:$0x3FB5] =	sst s0;
	s0 =	simm.s32 @!p2 $0x0  }
0x16: {  	s3 =	sld [smem:$0x3FDB];
	s0 =	simm.s32 @p2 $0x1  }
0x17: {  	s4 =	simm.s32 $0x1BF5;
	[smem:$0x3FB7] =	sst s0  }
0x18: {  	s0 =	sld [smem:$0x3F9A];
	_ =	swait.ge [sflag:s4], $0x0  }
0x19: {  	s7 =	sld [smem:$0x3F9B]  }
0x1a: {  	s8 =	sadd.s32 $0xFFFFE003, lr  }
0x1b: {  	s9 =	sadd.s32 $0xFFFFFEF7, lr;
	s5 =	simm.s32 $0xFFFFFFFF;
	p2 =	slt.u32 s8, $0xFFFFF086  }
0x1c: {  	p1 =	slt.u32 s9, $0xF7A;
	s5 =	simm.s32 @!p2 $0x0  }
0x1d: {  	s5 =	simm.s32 @p1 $0x1;
	p0 =	seq.s32 s7, s2  }
0x1e: {  	s7 =	smul.u32 @!p0 $0xF7A, s2;
	p2 =	seq.s32 @!p0 s5, $0x0  }
0x1f: {  	s9 =	smul.u32 $0xF7A, s1;
	s8 =	simm.s32 @!p0 $0x1BF5;
	p2 =	por !p2, p0  }
0x20: {  	[sflag:s8] =	ssyncset.s32 @!p0 $0xFFFFF086;
	s6 =	sadd.s32 @!p0 s3, s7;
	s7 =	simm.s32 @!p0 $0x108  }
0x21: {  	s3 =	sadd.s32 s3, s9;
	s6 =	sadd.s32 @!p0 $0x88, s6;
	s7 =	simm.s32 @p2 $0x1082  }
0x22: {  	[simem:s7], [sflag:s8] =	dma.local @!p0 [hbm:s6], $0xF7A  }
0x23: {  	s9 =	sor.u32 $0xD0000000, s2;
	s6 =	simm.s32 $0x108;
	_ =	swait.ge @!p0 [sflag:s8], $0x0  }
0x24: {  	s3 =	sadd.s32 $0x88, s3;
	s6 =	simm.s32 @!p1 $0x1082;
	[sflag:s4] =	ssyncset.s32 $0xFFFFF086  }
0x25: {  	[simem:s6], [sflag:s4] =	dma.local [hbm:s3], $0xF7A  }
0x26: {  	[smem:$0x3F9B] =	sst s1;
	(tag) =	ssettag s2;
	_ =	strace s9  }
0x27: {  	s1 =	sld [smem:$0x3FAB]  }
0x28: {  	s2 =	sld [smem:$0x3FAC]  }
0x29: {  	s4 =	sld [smem:$0x3FAE]  }
0x2a: {  	p0 =	seq.s32 s5, $0x0;
	s5 =	sld [smem:$0x3FAF]  }
0x2b: {  	s6 =	sld [smem:$0x3FB0]  }
0x2c: {  	s7 =	sld [smem:$0x3FB1]  }
0x2d: {  	s3 =	simm.s32 $0x108;
	s8 =	sld [smem:$0x3FB2]  }
0x2e: {  	s3 =	simm.s32 @!p0 $0x1082;
	s9 =	sld [smem:$0x3FB3]  }
0x2f: {  	lr =	sadd.s32 s0, s3;
	s0 =	sld [smem:$0x3FAA]  }
0x30: {  	s3 =	sld [smem:$0x3FAD]  }
0x31: {  	[smem:$0x3FB6] =	sst s10  }
0x32: {  	s10 =	sld [smem:$0x3FB4];
	_ =	sdelay $0x3  }
0x33: {  	p0 =	seq.s32 s10, $0x1;
	s10 =	sld [smem:$0x3FB6];
	_ =	sdelay $0x3  }
0x34: {  	[smem:$0x3FB6] =	sst s10  }
0x35: {  	s10 =	sld [smem:$0x3FB5];
	_ =	sdelay $0x3  }
0x36: {  	p1 =	seq.s32 s10, $0x1;
	s10 =	sld [smem:$0x3FB6];
	_ =	sdelay $0x3  }
0x37: {  	[smem:$0x3FB6] =	sst s10  }
0x38: {  	s10 =	sld [smem:$0x3FB7]  }
0x39: {  	_ = 	snop;
	(pc) =	sbr.ind lr, $3  }
0x3a: {  	_ = 	snop  }
0x3b: {  	_ = 	snop  }
0x3c: {  	p2 =	seq.s32 s10, $0x1;
	s10 =	sld [smem:$0x3FB6]  }
0x3d: {  	_ =	shalt  }
0x3e: {  	_ =	shalt  }
0x3f: {  	_ =	shalt  }
0x40: {  	_ =	shalt  }
0x41: {  	_ =	shalt  }
0x42: {  	_ =	shalt  }
0x43: {  	_ =	shalt  }
0x44: {  	_ =	shalt  }
0x45: {  	_ =	shalt  }
0x46: {  	_ =	shalt  }
0x47: {  	_ =	shalt  }
0x48: {  	_ =	shalt  }
0x49: {  	_ =	shalt  }
0x4a: {  	_ =	shalt  }
0x4b: {  	_ =	shalt  }
0x4c: {  	_ =	shalt  }
0x4d: {  	_ =	shalt  }
0x4e: {  	_ =	shalt  }
0x4f: {  	_ =	shalt  }
0x50: {  	_ =	shalt  }
0x51: {  	_ =	shalt  }
0x52: {  	_ =	shalt  }
0x53: {  	_ =	shalt  }
0x54: {  	_ =	shalt  }
0x55: {  	_ =	shalt  }
0x56: {  	_ =	shalt  }
0x57: {  	_ =	shalt  }
0x58: {  	_ =	shalt  }
0x59: {  	_ =	shalt  }
0x5a: {  	_ =	shalt  }
0x5b: {  	_ =	shalt  }
0x5c: {  	_ =	shalt  }
0x5d: {  	_ =	shalt  }
0x5e: {  	_ =	shalt  }
0x5f: {  	_ =	shalt  }
0x60: {  	_ =	shalt  }
0x61: {  	_ =	shalt  }
0x62: {  	_ =	shalt  }
0x63: {  	_ =	shalt  }
0x64: {  	_ =	shalt  }
0x65: {  	_ =	shalt  }
0x66: {  	_ =	shalt  }
0x67: {  	_ =	shalt  }
0x68: {  	_ =	shalt  }
0x69: {  	_ =	shalt  }
0x6a: {  	_ =	shalt  }
0x6b: {  	_ =	shalt  }
0x6c: {  	_ =	shalt  }
0x6d: {  	_ =	shalt  }
0x6e: {  	_ =	shalt  }
0x6f: {  	_ =	shalt  }
0x70: {  	_ =	shalt  }
0x71: {  	_ =	shalt  }
0x72: {  	_ =	shalt  }
0x73: {  	_ =	shalt  }
0x74: {  	_ =	shalt  }
0x75: {  	_ =	shalt  }
0x76: {  	_ =	shalt  }
0x77: {  	_ =	shalt  }
0x78: {  	_ =	shalt  }
0x79: {  	_ =	shalt  }
0x7a: {  	_ =	shalt  }
0x7b: {  	_ =	shalt  }
0x7c: {  	_ =	shalt  }
0x7d: {  	_ =	shalt  }
0x7e: {  	_ =	shalt  }
0x7f: {  	_ =	shalt  }
0x80: {  	_ =	shalt  }
0x81: {  	_ =	shalt  }
0x82: {  	_ =	shalt  }
0x83: {  	_ =	shalt  }
0x84: {  	_ =	shalt  }
0x85: {  	_ =	shalt  }
0x86: {  	_ =	shalt  }
0x87: {  	_ =	shalt  }
.Lfunc_end0:
.L_simem_size_0:
called_computation.2_lowered:
.L_overlay_start_0:
0x88: {  	s2 =	sld [smem:$0x3FD9]  }
0x89: {  	s3 =	sld [smem:$0x3FFE];
	_ =	sdelay $0x1  }
0x8a: {  	s1 =	srdreg.scid  }
0x8b: {  	s0 =	sand.u32 $0x1, s1  }
0x8c: {  	s17 =	sshll.u32 s0, $0xA;
	s2 =	sadd.s32 s3, s2  }
0x8d: {  	s2 =	sadd.s32 s2, s17  }
0x8e: {  	[smem:$0x3FC2] =	sst s2  }
0x8f: {  	_ = 	snop  }
0x90: {  	s2 =	sld [smem:$0x3FD0];
	(tm) =	ssettm $0x1  }
0x91: {  	s18 =	sld [smem:$0x3FFB];
	_ =	sdelay $0x3  }
0x92: {  	_ =	strace s18  }
0x93: {  	s3 =	sld [smem:$0x3FFC];
	_ =	sdelay $0x3  }
0x94: {  	_ =	strace s3  }
0x95: {  	s3 =	sld [smem:$0x3FFD];
	_ =	sdelay $0x3  }
0x96: {  	_ =	strace s3  }
0x97: {  	_ =	strace $0x8FFFFFFF  }
0x98: {  	s19 =	sld [smem:$0x3FDB];
	_ =	sdelay $0x1  }
0x99: {  	s4 =	simm.s32 $_scs_section_size  }
0x9a: {  	s5 =	simm.s32 $_size__tile_overlayer_lowered;
	s6 =	simm.s32 $_tile_overlayer_lowered  }
0x9b: {  	s22 =	simm.s32 $0x1BFF;
	s21 =	sshll.u32 s6, $0x1;
	s3 =	sadd.s32 s4, s19  }
0x9c: {  	s7 =	simm.s32 $0x0;
	s20 =	sshll.u32 s5, $0x1;
	s5 =	sadd.s32 s21, s3  }
0x9d: {  	[timem:s7], [sflag:s22] =	dma.local [hbm:s5], s20  }
0x9e: {  	_ =	swait.ge [sflag:s22], s20  }
0x9f: {  	s4 =	ssub.s32 $0x0, s20;
	[sflag:s22] =	ssyncset.done $0x0  }
0xa0: {  	[sflag:s22] =	ssyncadd.s32 s4;
	_ =	sdelay $0x1  }
0xa1: {  	s23 =	simm.s32 $0x1B8B  }
0xa2: {  	_ =	swait.ge [sflag:s23], $0x1  }
0xa3: {  	[sflag:s23] =	ssyncset.done $0x0  }
0xa4: {  	s25 =	simm.s32 $0x1B8E;
	s24 =	sld [smem:$0x3FFE];
	[sflag:s23] =	ssyncadd.s32 $0xFFFFFFFF  }
0xa5: {  	s26 =	simm.s32 $execute0_lowered;
	[smem:$0x3FD2] =	sst s25  }
0xa6: {  	s5 =	sshll.u32 s26, $0x1;
	_ =	strace $0x8000004C;
	[dreg:$0x1] =	wrdreg $0xFFFFFFFF  }
0xa7: {  	s28 =	simm.s32 $_size_execute0_lowered;
	s3 =	sadd.s32 s3, s5;
	[dreg:$0x0] =	wrdreg $0x0  }
0xa8: {  	s5 =	sshll.u32 s28, $0x1;
	[dreg:$0x2] =	wrdreg s3  }
0xa9: {  	[dreg:$0x3] =	wrdreg s5  }
0xaa: {  	[dreg:$0x4] =	wrdreg $0xC0  }
0xab: {  	_ =	task [dreg:s7], $0x5FFFF  }
0xac: {  	[dreg:$0x1] =	wrdreg $0xFFFFFFFF  }
0xad: {  	[dreg:$0x0] =	wrdreg $0x60  }
0xae: {  	[dreg:$0x2] =	wrdreg s24  }
0xaf: {  	[dreg:$0x3] =	wrdreg s2  }
0xb0: {  	[dreg:$0x4] =	wrdreg $0x7C000  }
0xb1: {  	[dreg:$0x5] =	wrdreg $0x9  }
0xb2: {  	_ =	task.clear_ibuf [dreg:s7], $0x6FFFF;
	_ =	strace $0x9000004C  }
0xb3: {  	s29 =	simm.s32 $0x9;
	_ =	strace $0x8000004E  }
0xb4: {  	_ =	swait.ge [sflag:s29], $0x1  }
0xb5: {  	[sflag:s29] =	ssyncadd.s32 $0xFFFFFFFF  }
0xb6: {  	_ =	strace $0x9000004E  }
0xb7: {  	_ =	sfence  }
0xb8: {  	s30 =	sld [smem:$0x0];
	_ =	sdelay $0x2  }
0xb9: {  	s31 =	sshll.u32 s1, $0xD;
	s1 =	sshrl.u32 s1, $0x2  }
0xba: {  	s3 =	sand.u32 $0x4000, s31;
	s1 =	sadd.s32 s1, s30  }
0xbb: {  	s0 =	sor.u32 s3, s0;
	s1 =	sshll.u32 s1, $0x11  }
0xbc: {  	s0 =	sor.u32 s1, s0  }
0xbd: {  	s0 =	sadd.s32 $0x8F2B, s0  }
0xbe: {  	[sflag:s0] =	ssyncadd.remote.s32 $0x1  }
0xbf: {  	_ =	sfence.sel $0xFFFF  }
0xc0: {  	[dreg:$0x0] =	wrdreg $0xFFFFFFFF;
	(pc) =	sbr.abs _section_cstart, $3  }
0xc1: {  	[dreg:$0x1] =	wrdreg $0xFFFFFFFF  }
0xc2: {  	_ =	task.clear_ibuf [dreg:s7], $0x2FFFF;
	_ =	strace $0x9FFFFFFF  }
0xc3: {  	(tm) =	ssettm $0x7FFFFFFF  }
tec
execute0_lowered:
.L_overlay_start_1:
0x0: {  	(tag) =	ssettag $0x1  }
0x1: {  	s0 =	srdreg.scid;
	s3 =	rddreg [dreg:$0x0]  }
0x2: {  	s15 =	stileid.u32;
	s5 =	rddreg [dreg:$0x1]  }
0x3: {  	s0 =	sand.u32 $0x1, s0;
	s7 =	smul.u32 $0x14000, s15;
	s9 =	sadd.s32 $0x2E400, s3  }
0x4: {  	s1 =	sshll.u32 s0, $0x4;
	s6 =	smul.u32 $0x140000, s0;
	s0 =	ssub.s32 $0x2, s0  }
0x5: {  	s2 =	sor.u32 s15, s1;
	s1 =	simm.s32 $0x0;
	s15 =	smul.u32 $0x50000, s15  }
0x6: {  	s8 =	sshrl.u32 s0, $0x1;
	s11 =	sadd.s32 $0x6000, s7;
	s4 =	smul.u32 $0x280, s2  }
0x7: {  	[smem:$0x7FF] =	sst s1;
	s2 =	smul.u32 $0x500, s2;
	s0 =	ssub.s32 s0, s8  }
0x8: {  	s26 =	sadd.s32 s6, s7;
	s8 =	sor.u32 $0x2000, s7;
	s12 =	sadd.s32 s6, s11  }
0x9: {  	s25 =	sadd.s32 s6, s8;
	s13 =	sshrl.u32 s12, $0x3;
	s24 =	sshrl.u32 s15, $0x2  }
0xa: {  	s15 =	sadd.s32 $0x7200, s3;
	s2 =	sadd.s32 s5, s2;
	s5 =	sshrl.u32 s26, $0x3  }
0xb: {  	s26 =	sadd.s32 $0x4000, s7;
	[dreg:$0x4] =	wrdreg s2;
	s2 =	sadd.s32 s9, s5  }
0xc: {  	s10 =	sadd.s32 s6, s26;
	[dreg:$0x5] =	wrdreg s2;
	s2 =	sshrl.u32 s25, $0x3  }
0xd: {  	s0 =	smax.u32 s0, $0x1;
	s10 =	sshrl.u32 s10, $0x3;
	s2 =	sadd.s32 s9, s2  }
0xe: {  	s23 =	sadd.s32 s4, s3;
	[dreg:$0x6] =	wrdreg s2;
	s2 =	sadd.s32 s9, s10  }
0xf: {  	s10 =	sadd.s32 $0x8000, s7;
	[dreg:$0x7] =	wrdreg s2;
	s2 =	sadd.s32 s9, s13  }
0x10: {  	s14 =	sadd.s32 s6, s10;
	s13 =	sadd.s32 $0xA000, s7;
	[dreg:$0x8] =	wrdreg s2  }
0x11: {  	s2 =	sshrl.u32 s14, $0x3;
	s12 =	sadd.s32 s6, s13;
	s14 =	sadd.s32 $0xC000, s7  }
0x12: {  	s2 =	sadd.s32 s9, s2;
	s16 =	sshrl.u32 s12, $0x3;
	s12 =	rddreg [dreg:$0x2]  }
0x13: {  	s17 =	sadd.s32 s6, s14;
	[dreg:$0x9] =	wrdreg s2;
	s2 =	sadd.s32 s9, s16  }
0x14: {  	s18 =	sshrl.u32 s17, $0x3;
	s17 =	sadd.s32 $0xE000, s7;
	s16 =	sadd.s32 s24, s12  }
0x15: {  	s25 =	sadd.s32 s8, s12;
	s26 =	sadd.s32 s26, s12;
	s24 =	sadd.s32 s14, s12  }
0x16: {  	s8 =	simm.s32 $0x40;
	s14 =	simm.s32 $0x0;
	[dreg:$0xa] =	wrdreg s2  }
0x17: {  	s2 =	sadd.s32 s9, s18;
	s19 =	sadd.s32 s6, s17;
	s18 =	sadd.s32 $0x10000, s7  }
0x18: {  	s7 =	sadd.s32 $0x12000, s7;
	s29 =	sadd.s32 $0x2000, s16;
	s30 =	sadd.s32 $0x4000, s16  }
0x19: {  	s31 =	sadd.s32 $0x6000, s16;
	s3 =	sadd.s32 $0xE000, s16;
	s4 =	sadd.s32 $0x10000, s16  }
0x1a: {  	s5 =	sadd.s32 $0x12000, s16;
	[dreg:$0xb] =	wrdreg s2;
	s2 =	sshrl.u32 s19, $0x3  }
0x1b: {  	s20 =	sadd.s32 s6, s18;
	s6 =	sadd.s32 s6, s7;
	s28 =	sadd.s32 s7, s12  }
0x1c: {  	s7 =	simm.s32 $0x3;
	s2 =	sadd.s32 s9, s2;
	s21 =	sshrl.u32 s20, $0x3  }
0x1d: {  	s6 =	sshrl.u32 s6, $0x3;
	[dreg:$0xc] =	wrdreg s2;
	s2 =	sadd.s32 s9, s21  }
0x1e: {  	s22 =	sadd.s32 s9, s6;
	s21 =	sadd.s32 s11, s12;
	[dreg:$0xd] =	wrdreg s2  }
0x1f: {  	s11 =	sadd.s32 $0x8000, s16;
	[dreg:$0xe] =	wrdreg s22;
	s2 =	sadd.s32 $0x2200, s23  }
0x20: {  	s6 =	simm.s32 $0x3C00;
	_ =	strace $0x8000004D;
	[dreg:$0xf] =	wrdreg s2  }
0x21: {  	s9 =	simm.s32 $0x5C00;
	s22 =	sadd.s32 s10, s12;
	[dreg:$0x10] =	wrdreg s0  }
0x22: {  	s23 =	sadd.s32 s13, s12;
	s10 =	simm.s32 $0x1;
	[dreg:$0x11] =	wrdreg s25  }
0x23: {  	s13 =	simm.s32 $0x2;
	[dreg:$0x12] =	wrdreg s26;
	s25 =	sadd.s32 s17, s12  }
0x24: {  	v0 =	vimm.f32 $0.0e+00;
	s26 =	sadd.s32 s18, s12;
	s0 =	sadd.s32 $0xA000, s16;
	s2 =	sadd.s32 $0xC000, s16  }
.LBB2_1:
0x25: {  	s17 =	simm.s32 $0x0;
	s18 =	simm.s32 $0x200  }
.LBB2_2:
0x26: {  	p0 =	sne.s32 s18, $0x7E00;
	[tilespmem:s17+$0x3C70] =	vst v0  }
0x27: {  	[tilespmem:s17+$0x3C00] =	vst v0  }
0x28: {  	[tilespmem:s17+$0x3C10] =	vst v0  }
.Ltmp0:
0x29: {  	[tilespmem:s17+$0x3C20] =	vst v0;
	(pc) =	sbr.rel @p0 .LBB2_2-.Ltmp0, $4  }
0x2a: {  	[tilespmem:s17+$0x3C30] =	vst v0  }
0x2b: {  	[tilespmem:s17+$0x3C40] =	vst v0  }
0x2c: {  	[tilespmem:s17+$0x3C50] =	vst v0  }
0x2d: {  	[tilespmem:s17+$0x3C60] =	vst v0;
	s17 =	sshra.s32 s18, $0x2;
	s18 =	sadd.s32 $0x200, s18  }
0x2e: {  	[tilespmem:s17+$0x3C70] =	vst v0  }
0x2f: {  	[tilespmem:s17+$0x3C00] =	vst v0  }
0x30: {  	[tilespmem:s17+$0x3C10] =	vst v0  }
0x31: {  	[tilespmem:s17+$0x3C20] =	vst v0  }
0x32: {  	[tilespmem:s17+$0x3C30] =	vst v0  }
0x33: {  	[tilespmem:s17+$0x3C40] =	vst v0  }
0x34: {  	[tilespmem:s17+$0x3C50] =	vst v0  }
0x35: {  	[tilespmem:s17+$0x3C60] =	vst v0  }
0x36: {  	[spmem:s16] =	stream.linear.scatter [tilespmem:s6], [sflag:$0x3], $0x2000, $0x38;
	[tilespmem:$0x1BC00] =	vst v63  }
0x37: {  	_ =	swait.ge [sflag:s7], $0x2000  }
0x38: {  	[sflag:s7] =	ssyncset.done $0x0  }
0x39: {  	[sflag:s7] =	ssyncadd.s32 $0xFFFFE000  }
0x3a: {  	[spmem:s29] =	stream.linear.scatter [tilespmem:s6], [sflag:$0x3], $0x2000, $0x38;
	[tilespmem:$0x1BC00] =	vst v63  }
0x3b: {  	_ =	swait.ge [sflag:s7], $0x2000  }
0x3c: {  	[sflag:s7] =	ssyncset.done $0x0  }
0x3d: {  	[sflag:s7] =	ssyncadd.s32 $0xFFFFE000  }
0x3e: {  	[spmem:s30] =	stream.linear.scatter [tilespmem:s6], [sflag:$0x3], $0x2000, $0x38;
	[tilespmem:$0x1BC00] =	vst v63  }
0x3f: {  	_ =	swait.ge [sflag:s7], $0x2000  }
0x40: {  	[sflag:s7] =	ssyncset.done $0x0  }
0x41: {  	[sflag:s7] =	ssyncadd.s32 $0xFFFFE000  }
0x42: {  	[spmem:s31] =	stream.linear.scatter [tilespmem:s6], [sflag:$0x3], $0x2000, $0x38;
	[tilespmem:$0x1BC00] =	vst v63  }
0x43: {  	_ =	swait.ge [sflag:s7], $0x2000  }
0x44: {  	[sflag:s7] =	ssyncset.done $0x0  }
0x45: {  	[sflag:s7] =	ssyncadd.s32 $0xFFFFE000  }
0x46: {  	[spmem:s11] =	stream.linear.scatter [tilespmem:s6], [sflag:$0x3], $0x2000, $0x38;
	[tilespmem:$0x1BC00] =	vst v63  }
0x47: {  	_ =	swait.ge [sflag:s7], $0x2000  }
0x48: {  	[sflag:s7] =	ssyncset.done $0x0  }
0x49: {  	[sflag:s7] =	ssyncadd.s32 $0xFFFFE000  }
0x4a: {  	[spmem:s0] =	stream.linear.scatter [tilespmem:s6], [sflag:$0x3], $0x2000, $0x38;
	[tilespmem:$0x1BC00] =	vst v63  }
0x4b: {  	_ =	swait.ge [sflag:s7], $0x2000  }
0x4c: {  	[sflag:s7] =	ssyncset.done $0x0  }
0x4d: {  	[sflag:s7] =	ssyncadd.s32 $0xFFFFE000  }
0x4e: {  	[spmem:s2] =	stream.linear.scatter [tilespmem:s6], [sflag:$0x3], $0x2000, $0x38;
	[tilespmem:$0x1BC00] =	vst v63  }
0x4f: {  	_ =	swait.ge [sflag:s7], $0x2000  }
0x50: {  	[sflag:s7] =	ssyncset.done $0x0  }
0x51: {  	[sflag:s7] =	ssyncadd.s32 $0xFFFFE000  }
0x52: {  	[spmem:s3] =	stream.linear.scatter [tilespmem:s6], [sflag:$0x3], $0x2000, $0x38;
	[tilespmem:$0x1BC00] =	vst v63  }
0x53: {  	_ =	swait.ge [sflag:s7], $0x2000  }
0x54: {  	[sflag:s7] =	ssyncset.done $0x0  }
0x55: {  	[sflag:s7] =	ssyncadd.s32 $0xFFFFE000  }
0x56: {  	[spmem:s4] =	stream.linear.scatter [tilespmem:s6], [sflag:$0x3], $0x2000, $0x38;
	[tilespmem:$0x1BC00] =	vst v63  }
0x57: {  	_ =	swait.ge [sflag:s7], $0x2000  }
0x58: {  	[sflag:s7] =	ssyncset.done $0x0  }
0x59: {  	[sflag:s7] =	ssyncadd.s32 $0xFFFFE000  }
0x5a: {  	[spmem:s5] =	stream.linear.scatter [tilespmem:s6], [sflag:$0x3], $0x2000, $0x38;
	[tilespmem:$0x1BC00] =	vst v63  }
0x5b: {  	_ =	swait.ge [sflag:s7], $0x2000  }
0x5c: {  	[sflag:s7] =	ssyncset.done $0x0  }
0x5d: {  	[sflag:s7] =	ssyncadd.s32 $0xFFFFE000  }
0x5e: {  	[bflag:$0x0] =	sbarrier.arrive $0xFFFF  }
0x5f: {  	s18 =	simm.s32 $0x0;
	s19 =	rddreg [dreg:$0xf]  }
0x60: {  	[tilespmem:s18], [sflag:$0x3] =	stream.linear.gather [hbm4b:s19+s18], $0x1400, $0x38;
	[tilespmem:$0x1BC00] =	vst v63  }
0x61: {  	_ =	swait.ge [sflag:s7], $0x1400  }
0x62: {  	[sflag:s7] =	ssyncset.done $0x0  }
0x63: {  	s19 =	simm.s32 $0x1400;
	s20 =	rddreg [dreg:$0x4];
	[sflag:s7] =	ssyncadd.s32 $0xFFFFEC00  }
0x64: {  	[tilespmem:s19], [sflag:$0x3] =	stream.linear.gather [hbm4b:s20+s18], $0x2800, $0x38;
	[tilespmem:$0x1BC00] =	vst v63  }
0x65: {  	_ =	swait.ge [sflag:s7], $0x2800  }
0x66: {  	[sflag:s7] =	ssyncset.done $0x0  }
0x67: {  	s17 =	simm.s32 $0x40;
	[sflag:s7] =	ssyncadd.s32 $0xFFFFD800  }
0x68: {  	[tilespmem:s6], [sflag:$0x1] =	stream.indirect.gather [hbm4b:s15+s17], $0x80, s18, s17, $0xb8;
	[tilespmem:$0x1BC00] =	vst v63  }
0x69: {  	_ = 	snop  }
0x6a: {  	[tilespmem:s9], [sflag:$0x2] =	stream.indirect.gather [hbm4b:s15+s8], $0x80, s17, s8, $0xb8;
	[tilespmem:$0x1BC00] =	vst v63  }
0x6b: {  	_ =	swait.ge [sflag:s10], $0x2000  }
0x6c: {  	[sflag:s10] =	ssyncset.done $0x0  }
0x6d: {  	s20 =	simm.s32 $0x1400;
	[sflag:s10] =	ssyncadd.s32 $0xFFFFE000  }
0x6e: {  	[spmem:s12] =	stream.indirect.scatter.add.f32 [tilespmem:s6], [sflag:$0x3], $0x80, s20, s8, $0xb8;
	[tilespmem:$0x1BC00] =	vst v63  }
0x6f: {  	_ =	swait.ge [sflag:s7], $0x2000  }
0x70: {  	[sflag:s7] =	ssyncset.done $0x0  }
0x71: {  	s19 =	simm.s32 $0x80;
	[sflag:s7] =	ssyncadd.s32 $0xFFFFE000  }
0x72: {  	[tilespmem:s6], [sflag:$0x1] =	stream.indirect.gather [hbm4b:s15+s8], $0x80, s19, s8, $0xb8;
	[tilespmem:$0x1BC00] =	vst v63  }
0x73: {  	_ =	swait.ge [sflag:s13], $0x2000  }
0x74: {  	[sflag:s13] =	ssyncset.done $0x0  }
0x75: {  	s20 =	simm.s32 $0x1480;
	[sflag:s13] =	ssyncadd.s32 $0xFFFFE000  }
0x76: {  	[spmem:s12] =	stream.indirect.scatter.add.f32 [tilespmem:s9], [sflag:$0x3], $0x80, s20, s8, $0xb8;
	[tilespmem:$0x1BC00] =	vst v63  }
0x77: {  	_ =	swait.ge [sflag:s7], $0x2000  }
0x78: {  	s18 =	simm.s32 $0x400;
	[sflag:s7] =	ssyncset.done $0x0  }
.LBB2_4:
0x79: {  	p0 =	sne.s32 s18, $0x9800;
	[sflag:s7] =	ssyncadd.s32 $0xFFFFE000;
	s17 =	sadd.s32 $0x80, s17  }
0x7a: {  	[tilespmem:s9], [sflag:$0x2] =	stream.indirect.gather [hbm4b:s15+s8], $0x80, s17, s8, $0xb8;
	[tilespmem:$0x1BC00] =	vst v63  }
0x7b: {  	s19 =	smov.u32 s18;
	s18 =	sadd.s32 $0x400, s18;
	_ =	swait.ge [sflag:s10], $0x2000  }
0x7c: {  	s19 =	sshra.s32 s19, $0x2;
	[sflag:s10] =	ssyncset.done $0x0  }
0x7d: {  	s20 =	sadd.s32 $0x1400, s19;
	[sflag:s10] =	ssyncadd.s32 $0xFFFFE000  }
0x7e: {  	[spmem:s12] =	stream.indirect.scatter.add.f32 [tilespmem:s6], [sflag:$0x3], $0x80, s20, s8, $0xb8;
	[tilespmem:$0x1BC00] =	vst v63  }
0x7f: {  	_ =	swait.ge [sflag:s7], $0x2000  }
0x80: {  	[sflag:s7] =	ssyncset.done $0x0  }
0x81: {  	s20 =	sadd.s32 $0x40, s17;
	[sflag:s7] =	ssyncadd.s32 $0xFFFFE000  }
0x82: {  	[tilespmem:s6], [sflag:$0x1] =	stream.indirect.gather [hbm4b:s15+s8], $0x80, s20, s8, $0xb8;
	[tilespmem:$0x1BC00] =	vst v63  }
0x83: {  	_ =	swait.ge [sflag:s13], $0x2000  }
.Ltmp1:
0x84: {  	[sflag:s13] =	ssyncset.done $0x0;
	(pc) =	sbr.rel @p0 .LBB2_4-.Ltmp1, $4  }
0x85: {  	s19 =	sadd.s32 $0x1480, s19;
	[sflag:s13] =	ssyncadd.s32 $0xFFFFE000  }
0x86: {  	[spmem:s12] =	stream.indirect.scatter.add.f32 [tilespmem:s9], [sflag:$0x3], $0x80, s19, s8, $0xb8;
	[tilespmem:$0x1BC00] =	vst v63  }
0x87: {  	_ =	swait.ge [sflag:s7], $0x2000  }
0x88: {  	[sflag:s7] =	ssyncset.done $0x0  }
0x89: {  	[sflag:s7] =	ssyncadd.s32 $0xFFFFE000;
	s17 =	simm.s32 $0x13C0  }
0x8a: {  	[tilespmem:s9], [sflag:$0x2] =	stream.indirect.gather [hbm4b:s15+s8], $0x80, s17, s8, $0xb8;
	[tilespmem:$0x1BC00] =	vst v63  }
0x8b: {  	_ =	swait.ge [sflag:s10], $0x2000  }
0x8c: {  	[sflag:s10] =	ssyncset.done $0x0  }
0x8d: {  	s18 =	simm.s32 $0x3B00;
	[sflag:s10] =	ssyncadd.s32 $0xFFFFE000  }
0x8e: {  	[spmem:s12] =	stream.indirect.scatter.add.f32 [tilespmem:s6], [sflag:$0x3], $0x80, s18, s8, $0xb8;
	[tilespmem:$0x1BC00] =	vst v63  }
0x8f: {  	_ =	swait.ge [sflag:s7], $0x2000  }
0x90: {  	[sflag:s7] =	ssyncset.done $0x0  }
0x91: {  	[sflag:s7] =	ssyncadd.s32 $0xFFFFE000  }
0x92: {  	_ =	swait.ge [sflag:s13], $0x2000  }
0x93: {  	[sflag:s13] =	ssyncset.done $0x0  }
0x94: {  	s19 =	simm.s32 $0x3B80;
	[sflag:s13] =	ssyncadd.s32 $0xFFFFE000  }
0x95: {  	[spmem:s12] =	stream.indirect.scatter.add.f32 [tilespmem:s9], [sflag:$0x3], $0x80, s19, s8, $0xb8;
	[tilespmem:$0x1BC00] =	vst v63  }
0x96: {  	_ =	swait.ge [sflag:s7], $0x2000  }
0x97: {  	[sflag:s7] =	ssyncset.done $0x0  }
0x98: {  	[sflag:s7] =	ssyncadd.s32 $0xFFFFE000  }
0x99: {  	[bflag:$0x0] =	sbarrier.arrive $0xFFFF  }
0x9a: {  	[tilespmem:s6], [sflag:$0x3] =	stream.linear.gather [spmem:s16], $0x2000, $0x38;
	[tilespmem:$0x1BC00] =	vst v63  }
0x9b: {  	_ =	swait.ge [sflag:s7], $0x2000  }
0x9c: {  	[sflag:s7] =	ssyncset.done $0x0  }
0x9d: {  	s20 =	rddreg [dreg:$0x5];
	[sflag:s7] =	ssyncadd.s32 $0xFFFFE000  }
0x9e: {  	[hbm4b:s20+s1] =	stream.linear.scatter [tilespmem:s6], [sflag:$0x3], $0x2000, $0x38;
	[tilespmem:$0x1BC00] =	vst v63  }
0x9f: {  	_ =	swait.ge [sflag:s7], $0x2000  }
0xa0: {  	[sflag:s7] =	ssyncset.done $0x0  }
0xa1: {  	s18 =	rddreg [dreg:$0x11];
	[sflag:s7] =	ssyncadd.s32 $0xFFFFE000  }
0xa2: {  	[tilespmem:s6], [sflag:$0x3] =	stream.linear.gather [spmem:s18], $0x2000, $0x38;
	[tilespmem:$0x1BC00] =	vst v63  }
0xa3: {  	_ =	swait.ge [sflag:s7], $0x2000  }
0xa4: {  	[sflag:s7] =	ssyncset.done $0x0  }
0xa5: {  	s19 =	rddreg [dreg:$0x6];
	[sflag:s7] =	ssyncadd.s32 $0xFFFFE000  }
0xa6: {  	[hbm4b:s19+s1] =	stream.linear.scatter [tilespmem:s6], [sflag:$0x3], $0x2000, $0x38;
	[tilespmem:$0x1BC00] =	vst v63  }
0xa7: {  	_ =	swait.ge [sflag:s7], $0x2000  }
0xa8: {  	[sflag:s7] =	ssyncset.done $0x0  }
0xa9: {  	s20 =	rddreg [dreg:$0x12];
	[sflag:s7] =	ssyncadd.s32 $0xFFFFE000  }
0xaa: {  	[tilespmem:s6], [sflag:$0x3] =	stream.linear.gather [spmem:s20], $0x2000, $0x38;
	[tilespmem:$0x1BC00] =	vst v63  }
0xab: {  	_ =	swait.ge [sflag:s7], $0x2000  }
0xac: {  	[sflag:s7] =	ssyncset.done $0x0  }
0xad: {  	s18 =	rddreg [dreg:$0x7];
	[sflag:s7] =	ssyncadd.s32 $0xFFFFE000  }
0xae: {  	[hbm4b:s18+s1] =	stream.linear.scatter [tilespmem:s6], [sflag:$0x3], $0x2000, $0x38;
	[tilespmem:$0x1BC00] =	vst v63  }
0xaf: {  	_ =	swait.ge [sflag:s7], $0x2000  }
0xb0: {  	[sflag:s7] =	ssyncset.done $0x0  }
0xb1: {  	[sflag:s7] =	ssyncadd.s32 $0xFFFFE000  }
0xb2: {  	[tilespmem:s6], [sflag:$0x3] =	stream.linear.gather [spmem:s21], $0x2000, $0x38;
	[tilespmem:$0x1BC00] =	vst v63  }
0xb3: {  	_ =	swait.ge [sflag:s7], $0x2000  }
0xb4: {  	[sflag:s7] =	ssyncset.done $0x0  }
0xb5: {  	s19 =	rddreg [dreg:$0x8];
	[sflag:s7] =	ssyncadd.s32 $0xFFFFE000  }
0xb6: {  	[hbm4b:s19+s1] =	stream.linear.scatter [tilespmem:s6], [sflag:$0x3], $0x2000, $0x38;
	[tilespmem:$0x1BC00] =	vst v63  }
0xb7: {  	_ =	swait.ge [sflag:s7], $0x2000  }
0xb8: {  	[sflag:s7] =	ssyncset.done $0x0  }
0xb9: {  	[sflag:s7] =	ssyncadd.s32 $0xFFFFE000  }
0xba: {  	[tilespmem:s6], [sflag:$0x3] =	stream.linear.gather [spmem:s22], $0x2000, $0x38;
	[tilespmem:$0x1BC00] =	vst v63  }
0xbb: {  	_ =	swait.ge [sflag:s7], $0x2000  }
0xbc: {  	[sflag:s7] =	ssyncset.done $0x0  }
0xbd: {  	s20 =	rddreg [dreg:$0x9];
	[sflag:s7] =	ssyncadd.s32 $0xFFFFE000  }
0xbe: {  	[hbm4b:s20+s1] =	stream.linear.scatter [tilespmem:s6], [sflag:$0x3], $0x2000, $0x38;
	[tilespmem:$0x1BC00] =	vst v63  }
0xbf: {  	_ =	swait.ge [sflag:s7], $0x2000  }
0xc0: {  	[sflag:s7] =	ssyncset.done $0x0  }
0xc1: {  	[sflag:s7] =	ssyncadd.s32 $0xFFFFE000  }
0xc2: {  	[tilespmem:s6], [sflag:$0x3] =	stream.linear.gather [spmem:s23], $0x2000, $0x38;
	[tilespmem:$0x1BC00] =	vst v63  }
0xc3: {  	_ =	swait.ge [sflag:s7], $0x2000  }
0xc4: {  	[sflag:s7] =	ssyncset.done $0x0  }
0xc5: {  	s18 =	rddreg [dreg:$0xa];
	[sflag:s7] =	ssyncadd.s32 $0xFFFFE000  }
0xc6: {  	[hbm4b:s18+s1] =	stream.linear.scatter [tilespmem:s6], [sflag:$0x3], $0x2000, $0x38;
	[tilespmem:$0x1BC00] =	vst v63  }
0xc7: {  	_ =	swait.ge [sflag:s7], $0x2000  }
0xc8: {  	[sflag:s7] =	ssyncset.done $0x0  }
0xc9: {  	[sflag:s7] =	ssyncadd.s32 $0xFFFFE000  }
0xca: {  	[tilespmem:s6], [sflag:$0x3] =	stream.linear.gather [spmem:s24], $0x2000, $0x38;
	[tilespmem:$0x1BC00] =	vst v63  }
0xcb: {  	_ =	swait.ge [sflag:s7], $0x2000  }
0xcc: {  	[sflag:s7] =	ssyncset.done $0x0  }
0xcd: {  	s19 =	rddreg [dreg:$0xb];
	[sflag:s7] =	ssyncadd.s32 $0xFFFFE000  }
0xce: {  	[hbm4b:s19+s1] =	stream.linear.scatter [tilespmem:s6], [sflag:$0x3], $0x2000, $0x38;
	[tilespmem:$0x1BC00] =	vst v63  }
0xcf: {  	_ =	swait.ge [sflag:s7], $0x2000  }
0xd0: {  	[sflag:s7] =	ssyncset.done $0x0  }
0xd1: {  	[sflag:s7] =	ssyncadd.s32 $0xFFFFE000  }
0xd2: {  	[tilespmem:s6], [sflag:$0x3] =	stream.linear.gather [spmem:s25], $0x2000, $0x38;
	[tilespmem:$0x1BC00] =	vst v63  }
0xd3: {  	_ =	swait.ge [sflag:s7], $0x2000  }
0xd4: {  	[sflag:s7] =	ssyncset.done $0x0  }
0xd5: {  	s20 =	rddreg [dreg:$0xc];
	[sflag:s7] =	ssyncadd.s32 $0xFFFFE000  }
0xd6: {  	[hbm4b:s20+s1] =	stream.linear.scatter [tilespmem:s6], [sflag:$0x3], $0x2000, $0x38;
	[tilespmem:$0x1BC00] =	vst v63  }
0xd7: {  	_ =	swait.ge [sflag:s7], $0x2000  }
0xd8: {  	[sflag:s7] =	ssyncset.done $0x0  }
0xd9: {  	[sflag:s7] =	ssyncadd.s32 $0xFFFFE000  }
0xda: {  	[tilespmem:s6], [sflag:$0x3] =	stream.linear.gather [spmem:s26], $0x2000, $0x38;
	[tilespmem:$0x1BC00] =	vst v63  }
0xdb: {  	_ =	swait.ge [sflag:s7], $0x2000  }
0xdc: {  	[sflag:s7] =	ssyncset.done $0x0  }
0xdd: {  	s18 =	rddreg [dreg:$0xd];
	[sflag:s7] =	ssyncadd.s32 $0xFFFFE000  }
0xde: {  	[hbm4b:s18+s1] =	stream.linear.scatter [tilespmem:s6], [sflag:$0x3], $0x2000, $0x38;
	[tilespmem:$0x1BC00] =	vst v63  }
0xdf: {  	_ =	swait.ge [sflag:s7], $0x2000  }
0xe0: {  	[sflag:s7] =	ssyncset.done $0x0  }
0xe1: {  	[sflag:s7] =	ssyncadd.s32 $0xFFFFE000  }
0xe2: {  	[tilespmem:s6], [sflag:$0x3] =	stream.linear.gather [spmem:s28], $0x2000, $0x38;
	[tilespmem:$0x1BC00] =	vst v63  }
0xe3: {  	_ =	swait.ge [sflag:s7], $0x2000  }
0xe4: {  	[sflag:s7] =	ssyncset.done $0x0  }
0xe5: {  	s19 =	rddreg [dreg:$0xe];
	[sflag:s7] =	ssyncadd.s32 $0xFFFFE000  }
0xe6: {  	[hbm4b:s19+s1] =	stream.linear.scatter [tilespmem:s6], [sflag:$0x3], $0x2000, $0x38;
	[tilespmem:$0x1BC00] =	vst v63  }
0xe7: {  	_ =	swait.ge [sflag:s7], $0x2000  }
0xe8: {  	s14 =	sadd.s32 $0x1, s14;
	s20 =	rddreg [dreg:$0x10]  }
0xe9: {  	p0 =	sne.s32 s14, s20  }
.Ltmp2:
0xea: {  	_ = 	snop;
	(pc) =	sbr.rel @p0 .LBB2_1-.Ltmp2, $3  }
0xeb: {  	_ =	sdelay $0x1  }
0xec: {  	[sflag:s7] =	ssyncset.done $0x0  }
0xed: {  	[sflag:s7] =	ssyncadd.s32 $0xFFFFE000  }
0xee: {  	_ =	sfence.sel $0x180000  }
0xef: {  	[bflag:$0x0] =	sbarrier.arrive $0xFFFF  }
0xf0: {  	_ =	strace $0x9000004D  }
0xf1: {  	s0 =	stileid.u32;
	[bflag:$0x2] =	sbarrier.arrive $0xFFFF  }
0xf2: {  	p0 =	sne.s32 s0, $0x0;
	s0 =	rddreg [dreg:$0x3]  }
0xf3: {  	s0 =	sadd.s32 @!p0 $0x100000, s0  }
0xf4: {  	[sflag:s0] =	ssyncadd.tile.s32 @!p0 $0x1;
	_ =	shalt  }
.Lfunc_end2:
_tile_overlayer_lowered:
.L_overlay_start_2:
0xf5: {  	(tag) =	ssettag $0x2  }
0xf6: {  	s0 =	rddreg [dreg:$0x0];
	s2 =	stileid.u32  }
0xf7: {  	s1 =	rddreg [dreg:$0x1];
	p0 =	sne.s32 s2, $0x0  }
0xf8: {  	s3 =	rddreg [dreg:$0x2];
	[bflag:$0x3] =	sbarrier.arrive $0xFFFF;
	s2 =	simm.s32 @!p0 $0x1C03  }
0xf9: {  	[timem:s3], [sflag:s2] =	dma.local @!p0 [hbm:s0], s1  }
0xfa: {  	s0 =	simm.s32 @!p0 $0x3  }
0xfb: {  	_ =	swait.ge @!p0 [sflag:s0], s1  }
0xfc: {  	s1 =	ssub.s32 @!p0 $0x0, s1;
	[sflag:s0] =	ssyncset.done @!p0 $0x0  }
0xfd: {  	[sflag:s0] =	ssyncadd.s32 @!p0 s1  }
0xfe: {  	[bflag:$0x3] =	sbarrier.arrive $0xFFFF  }
0xff: {  	_ =	shalt  }

// kernel: kernel.8.cloned.1.call-start
scs
__scs_entry_jumppad:
0x0: {  	(pc) =	sbr.rel $0x88, $3  }
0x1: {  	(tag) =	ssettag $0x0;
	lr =	simm.s32 $0x1  }
0x2: {  	[smem:$0x3F9B] =	sst lr;
	_ =	strace $0xD0000000  }
0x3: {  	_ = 	snop  }
0x4: {  	_ = 	snop  }
0x5: {  	_ = 	snop  }
0x6: {  	_ = 	snop  }
0x7: {  	_ = 	snop  }
__scs_overlays_trampoline_lowered:
0x8: {  	[smem:$0x3FAA] =	sst s0  }
0x9: {  	[smem:$0x3FAB] =	sst s1  }
0xa: {  	[smem:$0x3FAC] =	sst s2  }
0xb: {  	[smem:$0x3FAD] =	sst s3  }
0xc: {  	[smem:$0x3FAE] =	sst s4  }
0xd: {  	[smem:$0x3FAF] =	sst s5  }
0xe: {  	[smem:$0x3FB0] =	sst s6  }
0xf: {  	[smem:$0x3FB1] =	sst s7  }
0x10: {  	[smem:$0x3FB2] =	sst s8  }
0x11: {  	[smem:$0x3FB3] =	sst s9;
	s0 =	simm.s32 @!p0 $0x0  }
0x12: {  	s1 =	sld [smem:$0x3F99];
	s0 =	simm.s32 @p0 $0x1  }
0x13: {  	[smem:$0x3FB4] =	sst s0;
	s0 =	simm.s32 @!p1 $0x0  }
0x14: {  	s2 =	sld [smem:$0x3F98];
	s0 =	simm.s32 @p1 $0x1  }
0x15: {  	[smem:$0x3FB5] =	sst s0;
	s0 =	simm.s32 @!p2 $0x0  }
0x16: {  	s3 =	sld [smem:$0x3FDB];
	s0 =	simm.s32 @p2 $0x1  }
0x17: {  	s4 =	simm.s32 $0x1BF5;
	[smem:$0x3FB7] =	sst s0  }
0x18: {  	s0 =	sld [smem:$0x3F9A];
	_ =	swait.ge [sflag:s4], $0x0  }
0x19: {  	s7 =	sld [smem:$0x3F9B]  }
0x1a: {  	s8 =	sadd.s32 $0xFFFFE003, lr  }
0x1b: {  	s9 =	sadd.s32 $0xFFFFFEF7, lr;
	s5 =	simm.s32 $0xFFFFFFFF;
	p2 =	slt.u32 s8, $0xFFFFF086  }
0x1c: {  	p1 =	slt.u32 s9, $0xF7A;
	s5 =	simm.s32 @!p2 $0x0  }
0x1d: {  	s5 =	simm.s32 @p1 $0x1;
	p0 =	seq.s32 s7, s2  }
0x1e: {  	s7 =	smul.u32 @!p0 $0xF7A, s2;
	p2 =	seq.s32 @!p0 s5, $0x0  }
0x1f: {  	s9 =	smul.u32 $0xF7A, s1;
	s8 =	simm.s32 @!p0 $0x1BF5;
	p2 =	por !p2, p0  }
0x20: {  	[sflag:s8] =	ssyncset.s32 @!p0 $0xFFFFF086;
	s6 =	sadd.s32 @!p0 s3, s7;
	s7 =	simm.s32 @!p0 $0x108  }
0x21: {  	s3 =	sadd.s32 s3, s9;
	s6 =	sadd.s32 @!p0 $0x88, s6;
	s7 =	simm.s32 @p2 $0x1082  }
0x22: {  	[simem:s7], [sflag:s8] =	dma.local @!p0 [hbm:s6], $0xF7A  }
0x23: {  	s9 =	sor.u32 $0xD0000000, s2;
	s6 =	simm.s32 $0x108;
	_ =	swait.ge @!p0 [sflag:s8], $0x0  }
0x24: {  	s3 =	sadd.s32 $0x88, s3;
	s6 =	simm.s32 @!p1 $0x1082;
	[sflag:s4] =	ssyncset.s32 $0xFFFFF086  }
0x25: {  	[simem:s6], [sflag:s4] =	dma.local [hbm:s3], $0xF7A  }
0x26: {  	[smem:$0x3F9B] =	sst s1;
	(tag) =	ssettag s2;
	_ =	strace s9  }
0x27: {  	s1 =	sld [smem:$0x3FAB]  }
0x28: {  	s2 =	sld [smem:$0x3FAC]  }
0x29: {  	s4 =	sld [smem:$0x3FAE]  }
0x2a: {  	p0 =	seq.s32 s5, $0x0;
	s5 =	sld [smem:$0x3FAF]  }
0x2b: {  	s6 =	sld [smem:$0x3FB0]  }
0x2c: {  	s7 =	sld [smem:$0x3FB1]  }
0x2d: {  	s3 =	simm.s32 $0x108;
	s8 =	sld [smem:$0x3FB2]  }
0x2e: {  	s3 =	simm.s32 @!p0 $0x1082;
	s9 =	sld [smem:$0x3FB3]  }
0x2f: {  	lr =	sadd.s32 s0, s3;
	s0 =	sld [smem:$0x3FAA]  }
0x30: {  	s3 =	sld [smem:$0x3FAD]  }
0x31: {  	[smem:$0x3FB6] =	sst s10  }
0x32: {  	s10 =	sld [smem:$0x3FB4];
	_ =	sdelay $0x3  }
0x33: {  	p0 =	seq.s32 s10, $0x1;
	s10 =	sld [smem:$0x3FB6];
	_ =	sdelay $0x3  }
0x34: {  	[smem:$0x3FB6] =	sst s10  }
0x35: {  	s10 =	sld [smem:$0x3FB5];
	_ =	sdelay $0x3  }
0x36: {  	p1 =	seq.s32 s10, $0x1;
	s10 =	sld [smem:$0x3FB6];
	_ =	sdelay $0x3  }
0x37: {  	[smem:$0x3FB6] =	sst s10  }
0x38: {  	s10 =	sld [smem:$0x3FB7]  }
0x39: {  	_ = 	snop;
	(pc) =	sbr.ind lr, $3  }
0x3a: {  	_ = 	snop  }
0x3b: {  	_ = 	snop  }
0x3c: {  	p2 =	seq.s32 s10, $0x1;
	s10 =	sld [smem:$0x3FB6]  }
0x3d: {  	_ =	shalt  }
0x3e: {  	_ =	shalt  }
0x3f: {  	_ =	shalt  }
0x40: {  	_ =	shalt  }
0x41: {  	_ =	shalt  }
0x42: {  	_ =	shalt  }
0x43: {  	_ =	shalt  }
0x44: {  	_ =	shalt  }
0x45: {  	_ =	shalt  }
0x46: {  	_ =	shalt  }
0x47: {  	_ =	shalt  }
0x48: {  	_ =	shalt  }
0x49: {  	_ =	shalt  }
0x4a: {  	_ =	shalt  }
0x4b: {  	_ =	shalt  }
0x4c: {  	_ =	shalt  }
0x4d: {  	_ =	shalt  }
0x4e: {  	_ =	shalt  }
0x4f: {  	_ =	shalt  }
0x50: {  	_ =	shalt  }
0x51: {  	_ =	shalt  }
0x52: {  	_ =	shalt  }
0x53: {  	_ =	shalt  }
0x54: {  	_ =	shalt  }
0x55: {  	_ =	shalt  }
0x56: {  	_ =	shalt  }
0x57: {  	_ =	shalt  }
0x58: {  	_ =	shalt  }
0x59: {  	_ =	shalt  }
0x5a: {  	_ =	shalt  }
0x5b: {  	_ =	shalt  }
0x5c: {  	_ =	shalt  }
0x5d: {  	_ =	shalt  }
0x5e: {  	_ =	shalt  }
0x5f: {  	_ =	shalt  }
0x60: {  	_ =	shalt  }
0x61: {  	_ =	shalt  }
0x62: {  	_ =	shalt  }
0x63: {  	_ =	shalt  }
0x64: {  	_ =	shalt  }
0x65: {  	_ =	shalt  }
0x66: {  	_ =	shalt  }
0x67: {  	_ =	shalt  }
0x68: {  	_ =	shalt  }
0x69: {  	_ =	shalt  }
0x6a: {  	_ =	shalt  }
0x6b: {  	_ =	shalt  }
0x6c: {  	_ =	shalt  }
0x6d: {  	_ =	shalt  }
0x6e: {  	_ =	shalt  }
0x6f: {  	_ =	shalt  }
0x70: {  	_ =	shalt  }
0x71: {  	_ =	shalt  }
0x72: {  	_ =	shalt  }
0x73: {  	_ =	shalt  }
0x74: {  	_ =	shalt  }
0x75: {  	_ =	shalt  }
0x76: {  	_ =	shalt  }
0x77: {  	_ =	shalt  }
0x78: {  	_ =	shalt  }
0x79: {  	_ =	shalt  }
0x7a: {  	_ =	shalt  }
0x7b: {  	_ =	shalt  }
0x7c: {  	_ =	shalt  }
0x7d: {  	_ =	shalt  }
0x7e: {  	_ =	shalt  }
0x7f: {  	_ =	shalt  }
0x80: {  	_ =	shalt  }
0x81: {  	_ =	shalt  }
0x82: {  	_ =	shalt  }
0x83: {  	_ =	shalt  }
0x84: {  	_ =	shalt  }
0x85: {  	_ =	shalt  }
0x86: {  	_ =	shalt  }
0x87: {  	_ =	shalt  }
.Lfunc_end0:
.L_simem_size_0:
called_computation_lowered:
.L_overlay_start_0:
0x88: {  	s2 =	sld [smem:$0x3FD9]  }
0x89: {  	s3 =	sld [smem:$0x3FFE];
	_ =	sdelay $0x1  }
0x8a: {  	s1 =	srdreg.scid  }
0x8b: {  	s0 =	sand.u32 $0x1, s1  }
0x8c: {  	s17 =	sshll.u32 s0, $0xA;
	s2 =	sadd.s32 s3, s2  }
0x8d: {  	s2 =	sadd.s32 s2, s17  }
0x8e: {  	[smem:$0x3FC2] =	sst s2  }
0x8f: {  	_ = 	snop  }
0x90: {  	s2 =	sld [smem:$0x3FD0];
	(tm) =	ssettm $0x1  }
0x91: {  	s18 =	sld [smem:$0x3FFB];
	_ =	sdelay $0x3  }
0x92: {  	_ =	strace s18  }
0x93: {  	s3 =	sld [smem:$0x3FFC];
	_ =	sdelay $0x3  }
0x94: {  	_ =	strace s3  }
0x95: {  	s3 =	sld [smem:$0x3FFD];
	_ =	sdelay $0x3  }
0x96: {  	_ =	strace s3  }
0x97: {  	_ =	strace $0x8FFFFFFF  }
0x98: {  	s19 =	sld [smem:$0x3FDB];
	_ =	sdelay $0x1  }
0x99: {  	s4 =	simm.s32 $_scs_section_size  }
0x9a: {  	s5 =	simm.s32 $_size__tile_overlayer_lowered;
	s6 =	simm.s32 $_tile_overlayer_lowered  }
0x9b: {  	s22 =	simm.s32 $0x1BFF;
	s21 =	sshll.u32 s6, $0x1;
	s3 =	sadd.s32 s4, s19  }
0x9c: {  	s7 =	simm.s32 $0x0;
	s20 =	sshll.u32 s5, $0x1;
	s5 =	sadd.s32 s21, s3  }
0x9d: {  	[timem:s7], [sflag:s22] =	dma.local [hbm:s5], s20  }
0x9e: {  	_ =	swait.ge [sflag:s22], s20  }
0x9f: {  	s4 =	ssub.s32 $0x0, s20;
	[sflag:s22] =	ssyncset.done $0x0  }
0xa0: {  	[sflag:s22] =	ssyncadd.s32 s4;
	_ =	sdelay $0x1  }
0xa1: {  	s23 =	simm.s32 $0x1B8B  }
0xa2: {  	_ =	swait.ge [sflag:s23], $0x1  }
0xa3: {  	[sflag:s23] =	ssyncset.done $0x0  }
0xa4: {  	s25 =	simm.s32 $0x1B8E;
	s24 =	sld [smem:$0x3FFE];
	[sflag:s23] =	ssyncadd.s32 $0xFFFFFFFF  }
0xa5: {  	s26 =	simm.s32 $execute0_lowered;
	[smem:$0x3FD2] =	sst s25  }
0xa6: {  	s5 =	sshll.u32 s26, $0x1;
	_ =	strace $0x80000046;
	[dreg:$0x1] =	wrdreg $0xFFFFFFFF  }
0xa7: {  	s28 =	simm.s32 $_size_execute0_lowered;
	s3 =	sadd.s32 s3, s5;
	[dreg:$0x0] =	wrdreg $0x0  }
0xa8: {  	s5 =	sshll.u32 s28, $0x1;
	[dreg:$0x2] =	wrdreg s3  }
0xa9: {  	[dreg:$0x3] =	wrdreg s5  }
0xaa: {  	[dreg:$0x4] =	wrdreg $0xC0  }
0xab: {  	_ =	task [dreg:s7], $0x5FFFF  }
0xac: {  	[dreg:$0x1] =	wrdreg $0xFFFFFFFF  }
0xad: {  	[dreg:$0x0] =	wrdreg $0x60  }
0xae: {  	[dreg:$0x2] =	wrdreg s2  }
0xaf: {  	[dreg:$0x3] =	wrdreg s24  }
0xb0: {  	[dreg:$0x4] =	wrdreg $0x2B000  }
0xb1: {  	[dreg:$0x5] =	wrdreg $0x9  }
0xb2: {  	_ =	task.clear_ibuf [dreg:s7], $0x6FFFF;
	_ =	strace $0x90000046  }
0xb3: {  	s29 =	simm.s32 $0x9;
	_ =	strace $0x80000048  }
0xb4: {  	_ =	swait.ge [sflag:s29], $0x1  }
0xb5: {  	[sflag:s29] =	ssyncadd.s32 $0xFFFFFFFF  }
0xb6: {  	_ =	strace $0x90000048  }
0xb7: {  	_ =	sfence  }
0xb8: {  	s30 =	sld [smem:$0x0];
	_ =	sdelay $0x2  }
0xb9: {  	s31 =	sshll.u32 s1, $0xD;
	s1 =	sshrl.u32 s1, $0x2  }
0xba: {  	s3 =	sand.u32 $0x4000, s31;
	s1 =	sadd.s32 s1, s30  }
0xbb: {  	s0 =	sor.u32 s3, s0;
	s1 =	sshll.u32 s1, $0x11  }
0xbc: {  	s0 =	sor.u32 s1, s0  }
0xbd: {  	s0 =	sadd.s32 $0x8F2B, s0  }
0xbe: {  	[sflag:s0] =	ssyncadd.remote.s32 $0x1  }
0xbf: {  	_ =	sfence.sel $0xFFFF  }
0xc0: {  	[dreg:$0x0] =	wrdreg $0xFFFFFFFF;
	(pc) =	sbr.abs _section_cstart, $3  }
0xc1: {  	[dreg:$0x1] =	wrdreg $0xFFFFFFFF  }
0xc2: {  	_ =	task.clear_ibuf [dreg:s7], $0x2FFFF;
	_ =	strace $0x9FFFFFFF  }
0xc3: {  	(tm) =	ssettm $0x7FFFFFFF  }
tec
execute0_lowered:
.L_overlay_start_1:
0x0: {  	(tag) =	ssettag $0x1  }
0x1: {  	s4 =	rddreg [dreg:$0x0]  }
0x2: {  	s5 =	rddreg [dreg:$0x1];
	s1 =	srdreg.scid  }
0x3: {  	s0 =	stileid.u32;
	s2 =	rddreg [dreg:$0x2];
	s3 =	simm.s32 $0x0  }
0x4: {  	s11 =	simm.s32 $0x2A80;
	s6 =	sand.u32 $0x1, s1;
	s7 =	smul.u32 $0x280, s0  }
0x5: {  	s1 =	rddreg [dreg:$0x3];
	s8 =	smul.u32 $0x2800, s6;
	s9 =	sshll.u32 s6, $0x4  }
0x6: {  	s12 =	simm.s32 $0x0;
	[smem:$0x7FF] =	sst s3;
	s9 =	sor.u32 s0, s9  }
0x7: {  	s6 =	ssub.s32 $0x2, s6;
	s8 =	sadd.s32 s7, s8;
	s9 =	smul.u32 $0x500, s9  }
0x8: {  	_ =	strace $0x80000047;
	s10 =	sshrl.u32 s6, $0x1;
	s8 =	sshrl.u32 s8, $0x3  }
0x9: {  	s10 =	ssub.s32 s6, s10;
	s8 =	sadd.s32 s8, s5;
	s4 =	sadd.s32 s4, s9  }
0xa: {  	s5 =	sadd.s32 s7, s2;
	s7 =	smax.u32 s10, $0x1;
	s9 =	simm.s32 $0x2800  }
0xb: {  	v0 =	vimm.f32 $0.0e+00;
	v1 =	vimm.f32 $1.000000000e+00;
	s10 =	simm.s32 $0x40;
	s6 =	sadd.s32 $0x1800, s8;
	s8 =	simm.s32 $0x1  }
.LBB2_1:
0xc: {  	[tilespmem:s3], [sflag:$0x1] =	stream.linear.gather [hbm4b:s4+s3], $0x2800, $0x38;
	[tilespmem:$0x2D80] =	vst v63  }
0xd: {  	_ =	swait.ge [sflag:s8], $0x2800  }
0xe: {  	[sflag:s8] =	ssyncset.done $0x0  }
0xf: {  	[sflag:s8] =	ssyncadd.s32 $0xFFFFD800  }
0x10: {  	[tilespmem:$0x2800] =	vst v0  }
0x11: {  	[tilespmem:$0x2810] =	vst v0  }
0x12: {  	[tilespmem:$0x2820] =	vst v0  }
0x13: {  	[tilespmem:$0x2830] =	vst v0  }
0x14: {  	[tilespmem:$0x2840] =	vst v0  }
0x15: {  	[tilespmem:$0x2850] =	vst v0  }
0x16: {  	[tilespmem:$0x2860] =	vst v0  }
0x17: {  	[tilespmem:$0x2870] =	vst v0  }
0x18: {  	[tilespmem:$0x2880] =	vst v0  }
0x19: {  	[tilespmem:$0x2890] =	vst v0  }
0x1a: {  	[tilespmem:$0x28A0] =	vst v0  }
0x1b: {  	[tilespmem:$0x28B0] =	vst v0  }
0x1c: {  	[tilespmem:$0x28C0] =	vst v0  }
0x1d: {  	[tilespmem:$0x28D0] =	vst v0  }
0x1e: {  	[tilespmem:$0x28E0] =	vst v0  }
0x1f: {  	[tilespmem:$0x28F0] =	vst v0  }
0x20: {  	[tilespmem:$0x2900] =	vst v0  }
0x21: {  	[tilespmem:$0x2910] =	vst v0  }
0x22: {  	[tilespmem:$0x2920] =	vst v0  }
0x23: {  	[tilespmem:$0x2930] =	vst v0  }
0x24: {  	[tilespmem:$0x2940] =	vst v0  }
0x25: {  	[tilespmem:$0x2950] =	vst v0  }
0x26: {  	[tilespmem:$0x2960] =	vst v0  }
0x27: {  	[tilespmem:$0x2970] =	vst v0  }
0x28: {  	[tilespmem:$0x2980] =	vst v0  }
0x29: {  	[tilespmem:$0x2990] =	vst v0  }
0x2a: {  	[tilespmem:$0x29A0] =	vst v0  }
0x2b: {  	[tilespmem:$0x29B0] =	vst v0  }
0x2c: {  	[tilespmem:$0x29C0] =	vst v0  }
0x2d: {  	[tilespmem:$0x29D0] =	vst v0  }
0x2e: {  	[tilespmem:$0x29E0] =	vst v0  }
0x2f: {  	[tilespmem:$0x29F0] =	vst v0  }
0x30: {  	[tilespmem:$0x2A00] =	vst v0  }
0x31: {  	[tilespmem:$0x2A10] =	vst v0  }
0x32: {  	[tilespmem:$0x2A20] =	vst v0  }
0x33: {  	[tilespmem:$0x2A30] =	vst v0  }
0x34: {  	[tilespmem:$0x2A40] =	vst v0  }
0x35: {  	[tilespmem:$0x2A50] =	vst v0  }
0x36: {  	[tilespmem:$0x2A60] =	vst v0  }
0x37: {  	[tilespmem:$0x2A70] =	vst v0  }
0x38: {  	[tilespmem:$0x2A80] =	vst v1  }
0x39: {  	[tilespmem:$0x2A90] =	vst v1  }
0x3a: {  	[tilespmem:$0x2AA0] =	vst v1  }
0x3b: {  	[tilespmem:$0x2AB0] =	vst v1  }
0x3c: {  	[spmem:s5] =	stream.linear.scatter [tilespmem:s9], [sflag:$0x1], $0x280, $0x38;
	[tilespmem:$0x2D80] =	vst v63  }
0x3d: {  	_ =	swait.ge [sflag:s8], $0x280  }
0x3e: {  	[sflag:s8] =	ssyncset.done $0x0  }
0x3f: {  	[sflag:s8] =	ssyncadd.s32 $0xFFFFFD80  }
0x40: {  	s13 =	simm.s32 $0x0;
	[bflag:$0x0] =	sbarrier.arrive $0xFFFF  }
0x41: {  	[spmem:s2] =	stream.indirect.scatter.add.f32 [tilespmem:s11], [sflag:$0x1], $0x1, s13, s10, $0xb8;
	[tilespmem:$0x2D80] =	vst v63  }
0x42: {  	_ =	swait.ge [sflag:s8], $0x40  }
0x43: {  	s13 =	simm.s32 $0x200;
	[sflag:s8] =	ssyncset.done $0x0  }
.LBB2_2:
0x44: {  	s14 =	sshra.s32 s13, $0x2;
	[sflag:s8] =	ssyncadd.s32 $0xFFFFFFC0;
	p0 =	sne.s32 s13, $0x9E00  }
0x45: {  	[spmem:s2] =	stream.indirect.scatter.add.f32 [tilespmem:s11], [sflag:$0x1], $0x1, s14, s10, $0xb8;
	[tilespmem:$0x2D80] =	vst v63  }
.Ltmp0:
0x46: {  	_ = 	snop;
	(pc) =	sbr.rel @p0 .LBB2_2-.Ltmp0, $4  }
0x47: {  	_ = 	snop  }
0x48: {  	s13 =	sadd.s32 $0x200, s13  }
0x49: {  	_ =	swait.ge [sflag:s8], $0x40  }
0x4a: {  	[sflag:s8] =	ssyncset.done $0x0  }
0x4b: {  	[sflag:s8] =	ssyncadd.s32 $0xFFFFFFC0  }
0x4c: {  	[bflag:$0x0] =	sbarrier.arrive $0xFFFF  }
0x4d: {  	[tilespmem:s9], [sflag:$0x1] =	stream.linear.gather [spmem:s5], $0x280, $0x38;
	[tilespmem:$0x2D80] =	vst v63  }
0x4e: {  	s12 =	sadd.s32 $0x1, s12;
	_ =	swait.ge [sflag:s8], $0x280  }
0x4f: {  	p0 =	sne.s32 s12, s7;
	[sflag:s8] =	ssyncset.done $0x0  }
.Ltmp1:
0x50: {  	[sflag:s8] =	ssyncadd.s32 $0xFFFFFD80;
	(pc) =	sbr.rel @p0 .LBB2_1-.Ltmp1, $4  }
0x51: {  	[hbm4b:s6+s3] =	stream.linear.scatter [tilespmem:s9], [sflag:$0x1], $0x280, $0x38;
	[tilespmem:$0x2D80] =	vst v63  }
0x52: {  	_ =	swait.ge [sflag:s8], $0x280  }
0x53: {  	[sflag:s8] =	ssyncset.done $0x0  }
0x54: {  	[sflag:s8] =	ssyncadd.s32 $0xFFFFFD80  }
0x55: {  	_ =	sfence.sel $0x180000  }
0x56: {  	[bflag:$0x0] =	sbarrier.arrive $0xFFFF  }
0x57: {  	p0 =	sne.s32 s0, $0x0;
	_ =	strace $0x90000047  }
0x58: {  	s0 =	sadd.s32 @!p0 $0x100000, s1;
	[bflag:$0x2] =	sbarrier.arrive $0xFFFF  }
0x59: {  	[sflag:s0] =	ssyncadd.tile.s32 @!p0 $0x1;
	_ =	shalt  }
.Lfunc_end2:
_tile_overlayer_lowered:
.L_overlay_start_2:
0x5a: {  	(tag) =	ssettag $0x2  }
0x5b: {  	s0 =	rddreg [dreg:$0x0];
	s2 =	stileid.u32  }
0x5c: {  	s1 =	rddreg [dreg:$0x1];
	p0 =	sne.s32 s2, $0x0  }
0x5d: {  	s3 =	rddreg [dreg:$0x2];
	[bflag:$0x3] =	sbarrier.arrive $0xFFFF;
	s2 =	simm.s32 @!p0 $0x1C01  }
0x5e: {  	[timem:s3], [sflag:s2] =	dma.local @!p0 [hbm:s0], s1  }
0x5f: {  	s0 =	simm.s32 @!p0 $0x1  }
0x60: {  	_ =	swait.ge @!p0 [sflag:s0], s1  }
0x61: {  	s1 =	ssub.s32 @!p0 $0x0, s1;
	[sflag:s0] =	ssyncset.done @!p0 $0x0  }
0x62: {  	[sflag:s0] =	ssyncadd.s32 @!p0 s1  }
0x63: {  	[bflag:$0x3] =	sbarrier.arrive $0xFFFF  }
0x64: {  	_ =	shalt  }

</sc_bundles>
